<compile_context>
chip_gen: v7x
topology: tpu7x:2x2x1
jax: 0.10.2.dev20260603
libtpu: 0.0.44.dev20260713+nightly
codegen_flags: <defaults>
</compile_context>

<pallas_src>
import functools

import jax
import jax.numpy as jnp
import numpy as np
from jax import lax
from jax.experimental import pallas as pl
from jax.experimental.pallas import tpu as pltpu
from jax.experimental.pallas import tpu_sc as plsc

K = 32
RADIUS = 0.1
N1 = 16384
N2 = 16384
G = 10
NCELLS = G * G * G
PG = G + 2
PROW = PG * PG
NSTARTS = 1744
QPAD = 16
NC = 2
NS = 16
NW = NC * NS
QPT = N1 // NW
GRP = 128
CAP = 96
COMPACT_AT = CAP - 16
SHIFT = 14
POSMASK = (1 << SHIFT) - 1
INF = (1 << 31) - 1
R2 = np.float32(RADIUS * RADIUS)


def _merge48(lo, hi, s):
    rs = lax.rev(s, (0,))
    m1 = jnp.minimum(hi, rs)
    p = jnp.minimum(lo, m1)
    q = jnp.maximum(lo, m1)
    return lax.sort(p), lax.sort(q)


def _smallest32(buf, bp, iota16, vinf):
    lo = vinf
    hi = vinf
    for j in range(CAP // 16):
        v = buf[pl.ds(16 * j, 16)]
        m = iota16 < (bp - 16 * j)
        v = jnp.where(m, v, vinf)
        lo, hi = _merge48(lo, hi, lax.sort(v))
    return lo, hi


def _smallest32_cond(buf, bp, iota16, vinf):
    lo = vinf
    hi = vinf
    for j in range(CAP // 16):
        def stage(args, j=j):
            a, b = args
            v = buf[pl.ds(16 * j, 16)]
            m = iota16 < (bp - 16 * j)
            v = jnp.where(m, v, vinf)
            return _merge48(a, b, lax.sort(v))

        lo, hi = lax.cond(bp > 16 * j, stage, lambda a: a, (lo, hi))
    return lo, hi


def _ballq_body(qx_h, qy_h, qz_h, sx_h, sy_h, sz_h, spk_h, starts_h,
                map_h, num_h, crd_h,
                sxv, syv, szv, spkv, stv, qxv, qyv, qzv,
                buf, rowbuf, mstage, cstage, nstage):
    wid = lax.axis_index("s") * NC + lax.axis_index("c")
    qbase = wid * QPT

    pltpu.sync_copy(sx_h, sxv.at[pl.ds(0, N2)])
    pltpu.sync_copy(sy_h, syv.at[pl.ds(0, N2)])
    pltpu.sync_copy(sz_h, szv.at[pl.ds(0, N2)])
    pltpu.sync_copy(spk_h, spkv.at[pl.ds(0, N2)])
    pltpu.sync_copy(starts_h, stv)
    pltpu.sync_copy(qx_h.at[pl.ds(qbase, QPT)], qxv.at[pl.ds(0, QPT)])
    pltpu.sync_copy(qy_h.at[pl.ds(qbase, QPT)], qyv.at[pl.ds(0, QPT)])
    pltpu.sync_copy(qz_h.at[pl.ds(qbase, QPT)], qzv.at[pl.ds(0, QPT)])

    iota16 = lax.broadcasted_iota(jnp.int32, (16,), 0)
    vinf = jnp.full((16,), INF, jnp.int32)

    def compact(bp):
        lo, hi = _smallest32(buf, bp, iota16, vinf)
        buf[pl.ds(0, 16)] = lo
        buf[pl.ds(16, 16)] = hi
        return jnp.minimum(bp, 32)

    def test_chunk(b, e, px, py, pz):
        lanem = iota16 < (e - b)
        xs = sxv[pl.ds(b, 16)]
        ys = syv[pl.ds(b, 16)]
        zs = szv[pl.ds(b, 16)]
        packed = spkv[pl.ds(b, 16)]
        dx = xs - px
        dy = ys - py
        dz = zs - pz
        d2 = dx * dx + dy * dy + dz * dz
        hit = (d2 <= R2) & lanem
        n = jnp.sum(jnp.where(hit, 1, 0).astype(jnp.int32))
        return packed, hit, n

    def chunk2_body(i, bp, s, e, px, py, pz):
        b = s + i * 32
        pk0, h0, n0 = test_chunk(b, e, px, py, pz)
        pk1, h1, n1 = test_chunk(b + 16, e, px, py, pz)
        plsc.store_compressed(buf.at[pl.ds(bp, 16)], pk0, mask=h0)
        bp = bp + n0
        plsc.store_compressed(buf.at[pl.ds(bp, 16)], pk1, mask=h1)
        return bp + n1

    def chunk_guarded_body(i, bp, s, e, px, py, pz):
        pk, h, n = test_chunk(s + i * 16, e, px, py, pz)
        bp = lax.cond(bp > COMPACT_AT, compact, lambda v: v, bp)
        plsc.store_compressed(buf.at[pl.ds(bp, 16)], pk, mask=h)
        return bp + n

    def query_body(ql, _, g):
        lq = g * GRP + ql
        px = qxv[pl.ds(lq, 16)][0]
        py = qyv[pl.ds(lq, 16)][0]
        pz = qzv[pl.ds(lq, 16)][0]
        def cell(pf):
            t = pf.astype(jnp.int32)
            t = jnp.where(t.astype(jnp.float32) > pf, t - 1, t)
            return jnp.minimum(t, G - 1)

        cx = cell(px * jnp.float32(G))
        cy = cell(py * jnp.float32(G))
        cz = cell(pz * jnp.float32(G))
        b0 = (cz * PG + cy) * PG + cx
        svec = jnp.zeros((16,), jnp.int32)
        evec = svec
        for dz in range(3):
            w0 = stv[pl.ds(b0 + dz * PROW, 16)]
            w1 = stv[pl.ds(b0 + dz * PROW + 16, 16)]
            se = ((w0[0], w0[3]), (w0[12], w0[15]), (w1[8], w1[11]))
            for dy in range(3):
                r = dz * 3 + dy
                svec = jnp.where(iota16 == r, se[dy][0], svec)
                evec = jnp.where(iota16 == r, se[dy][1], evec)
        rowbuf[pl.ds(0, 16)] = svec
        rowbuf[pl.ds(16, 16)] = evec

        def row_body(zy, bp):
            s = rowbuf[pl.ds(zy, 16)][0]
            e = rowbuf[pl.ds(16 + zy, 16)][0]
            need = e - s

            def fast(bp):
                nch2 = (need + 31) >> 5
                return lax.fori_loop(
                    0, nch2,
                    functools.partial(chunk2_body, s=s, e=e, px=px, py=py, pz=pz),
                    bp)

            def guarded(bp):
                nch = (need + 15) >> 4
                return lax.fori_loop(
                    0, nch,
                    functools.partial(chunk_guarded_body, s=s, e=e,
                                      px=px, py=py, pz=pz),
                    bp)

            return lax.cond(bp + need > CAP, guarded, fast, bp)

        bp = lax.fori_loop(0, 9, row_body, jnp.int32(0))

        lo, hi = _smallest32_cond(buf, bp, iota16, vinf)
        num = jnp.minimum(bp, K)
        vlo = lo < INF
        vhi = hi < INF
        map_lo = jnp.where(vlo, lo >> SHIFT, 0)
        map_hi = jnp.where(vhi, hi >> SHIFT, 0)
        pos_lo = jnp.where(vlo, lo & POSMASK, 0)
        pos_hi = jnp.where(vhi, hi & POSMASK, 0)
        mstage[ql, pl.ds(0, 16)] = map_lo
        mstage[ql, pl.ds(16, 16)] = map_hi
        zf = jnp.float32(0.0)
        i3 = iota16 * 3
        crow = cstage.at[ql]
        gx = jnp.where(vlo, plsc.load_gather(sxv, [pos_lo]), zf)
        gy = jnp.where(vlo, plsc.load_gather(syv, [pos_lo]), zf)
        gz = jnp.where(vlo, plsc.load_gather(szv, [pos_lo]), zf)
        plsc.store_scatter(crow, [i3], gx)
        plsc.store_scatter(crow, [i3 + 1], gy)
        plsc.store_scatter(crow, [i3 + 2], gz)
        gx = jnp.where(vhi, plsc.load_gather(sxv, [pos_hi]), zf)
        gy = jnp.where(vhi, plsc.load_gather(syv, [pos_hi]), zf)
        gz = jnp.where(vhi, plsc.load_gather(szv, [pos_hi]), zf)
        plsc.store_scatter(crow, [i3 + 48], gx)
        plsc.store_scatter(crow, [i3 + 49], gy)
        plsc.store_scatter(crow, [i3 + 50], gz)
        plsc.store_scatter(nstage, [jnp.full((16,), ql, jnp.int32)],
                           jnp.full((16,), 1, jnp.int32) * num,
                           mask=iota16 == 0)
        return 0

    def group_body(g, _):
        lax.fori_loop(0, GRP, functools.partial(query_body, g=g), 0)
        off = qbase + g * GRP
        pltpu.sync_copy(mstage, map_h.at[pl.ds(off, GRP)])
        pltpu.sync_copy(cstage, crd_h.at[pl.ds(off, GRP)])
        pltpu.sync_copy(nstage, num_h.at[pl.ds(off, GRP)])
        return 0

    lax.fori_loop(0, QPT // GRP, group_body, 0)


@jax.jit
def _ballq(qx, qy, qz, sx, sy, sz, spk, starts):
    mesh = plsc.VectorSubcoreMesh(
        core_axis_name="c", subcore_axis_name="s",
        num_cores=NC, num_subcores=NS)
    f = pl.kernel(
        _ballq_body,
        out_type=(
            jax.ShapeDtypeStruct((N1, K), jnp.int32),
            jax.ShapeDtypeStruct((N1,), jnp.int32),
            jax.ShapeDtypeStruct((N1, 3 * K), jnp.float32),
        ),
        mesh=mesh,
        compiler_params=pltpu.CompilerParams(needs_layout_passes=False),
        scratch_types=(
            pltpu.VMEM((N2 + 48,), jnp.float32),
            pltpu.VMEM((N2 + 48,), jnp.float32),
            pltpu.VMEM((N2 + 48,), jnp.float32),
            pltpu.VMEM((N2 + 48,), jnp.int32),
            pltpu.VMEM((NSTARTS,), jnp.int32),
            pltpu.VMEM((QPT + QPAD,), jnp.float32),
            pltpu.VMEM((QPT + QPAD,), jnp.float32),
            pltpu.VMEM((QPT + QPAD,), jnp.float32),
            pltpu.VMEM((CAP + 16,), jnp.int32),
            pltpu.VMEM((48,), jnp.int32),
            pltpu.VMEM((GRP, K), jnp.int32),
            pltpu.VMEM((GRP, 3 * K), jnp.float32),
            pltpu.VMEM((GRP,), jnp.int32),
        ),
    )
    return f(qx, qy, qz, sx, sy, sz, spk, starts)


def kernel(points1, points2, lengths1, lengths2):
    p1 = points1[0]
    p2 = points2[0]
    qx, qy, qz = p1[:, 0], p1[:, 1], p1[:, 2]
    gx = jnp.minimum((p2[:, 0] * jnp.float32(G)).astype(jnp.int32), G - 1)
    gy = jnp.minimum((p2[:, 1] * jnp.float32(G)).astype(jnp.int32), G - 1)
    gz = jnp.minimum((p2[:, 2] * jnp.float32(G)).astype(jnp.int32), G - 1)
    pcid = ((gz + 1) * PG + (gy + 1)) * PG + (gx + 1)
    iota = jnp.arange(N2, dtype=jnp.int32)
    srt = jnp.sort((pcid << SHIFT) | iota)
    order = srt & POSMASK
    spk = (order << SHIFT) | iota
    starts = jnp.searchsorted(
        srt, jnp.arange(NSTARTS, dtype=jnp.int32) << SHIFT, side="left"
    ).astype(jnp.int32)
    mapping, num, crd = _ballq(qx, qy, qz, p2[order, 0], p2[order, 1],
                               p2[order, 2], spk, starts)
    return mapping[None], num[None], crd.reshape(N1, K, 3)[None]

# --- scband reference (transcript-rebuilt; emitter-appended) ---
"""Pipeline reference for scband-ball-query-layer-10591389352025 (READ-ONLY COPY).

The authoritative reference and input builder live on the scoring server;
editing this copy changes nothing except your own understanding.
"""

import jax, jax.numpy as jnp
import numpy as np

K = 32
RADIUS = 0.1
N1 = 16384
N2 = 16384
CHUNK = 256


def setup_inputs(seed: int = 0) -> dict:
    key = jax.random.key(seed)
    k1, k2 = jax.random.split(key)
    points1 = jax.random.uniform(k1, (1, N1, 3), dtype=jnp.float32)
    points2 = jax.random.uniform(k2, (1, N2, 3), dtype=jnp.float32)
    lengths1 = jnp.full((1,), N1, dtype=jnp.int32)
    lengths2 = jnp.full((1,), N2, dtype=jnp.int32)
    return {"points1": points1, "points2": points2, "lengths1": lengths1, "lengths2": lengths2}


def _ball_query(points1, points2, k, radius):
    # points1: [1, N1, 3], points2: [1, N2, 3]  (batch size 1, as in the torch layer)
    p1 = points1[0]
    p2 = points2[0]
    n1 = p1.shape[0]
    n2 = p2.shape[0]
    r2 = radius * radius

    def per_query(p):
        d2 = jnp.sum((p2 - p[None, :]) ** 2, axis=1)
        mask = d2 <= r2  # wp.length(pos - pos2) > radius -> continue, so <= radius is kept
        order = jnp.cumsum(mask.astype(jnp.int32)) - 1  # rank among neighbors, by index order
        valid = mask & (order < k)
        num = jnp.minimum(jnp.sum(mask.astype(jnp.int32)), k).astype(jnp.int32)
        slots = jnp.where(valid, order, k)  # slot k is dropped
        idxs = jnp.where(valid, jnp.arange(n2, dtype=jnp.int32), 0)
        mapping = jnp.zeros((k,), dtype=jnp.int32).at[slots].set(idxs, mode='drop')
        slot_mask = (jnp.arange(k) < num).astype(p2.dtype)
        # sparse_ball_query kernel: gather points2 positions into output slots; unfilled stay 0
        out = p2[mapping] * slot_mask[:, None]
        return mapping, num, out

    chunks = p1.reshape(n1 // CHUNK, CHUNK, 3)

    def chunk_fn(pc):
        return jax.vmap(per_query)(pc)

    mapping, num, out = jax.lax.map(chunk_fn, chunks)
    mapping = mapping.reshape(n1, k)[None]
    num = num.reshape(n1)[None]
    out = out.reshape(n1, k, 3)[None]
    return mapping, num, out


def reference(points1, points2, lengths1, lengths2):
    # lengths1/lengths2 are unused by the batch-size-1 warp path, matching the torch module
    mapping, num_neighbors, outputs = _ball_query(points1, points2, K, RADIUS)
    return (mapping, num_neighbors, outputs)

if __name__ == "__main__":
    import jax
    _d = setup_inputs()
    print(jax.jit(kernel)(*tuple(_d.values())))

</pallas_src>

<mosaic_0001>
#map = affine_map<(d0, d1) -> (0)>
#map1 = affine_map<(d0, d1) -> (0, 0)>
module attributes {stable_mosaic.version = 14 : i64} {
  func.func @_ballq_body(%arg0: i32, %arg1: i32, %arg2: memref<16384xf32, #tpu.memory_space<hbm>>, %arg3: memref<16384xf32, #tpu.memory_space<hbm>>, %arg4: memref<16384xf32, #tpu.memory_space<hbm>>, %arg5: memref<16384xf32, #tpu.memory_space<hbm>>, %arg6: memref<16384xf32, #tpu.memory_space<hbm>>, %arg7: memref<16384xf32, #tpu.memory_space<hbm>>, %arg8: memref<16384xi32, #tpu.memory_space<hbm>>, %arg9: memref<1744xi32, #tpu.memory_space<hbm>>, %arg10: memref<16384x32xi32, #tpu.memory_space<hbm>>, %arg11: memref<16384xi32, #tpu.memory_space<hbm>>, %arg12: memref<16384x96xf32, #tpu.memory_space<hbm>>, %arg13: memref<16432xf32, #tpu.memory_space<vmem>>, %arg14: memref<16432xf32, #tpu.memory_space<vmem>>, %arg15: memref<16432xf32, #tpu.memory_space<vmem>>, %arg16: memref<16432xi32, #tpu.memory_space<vmem>>, %arg17: memref<1744xi32, #tpu.memory_space<vmem>>, %arg18: memref<528xf32, #tpu.memory_space<vmem>>, %arg19: memref<528xf32, #tpu.memory_space<vmem>>, %arg20: memref<528xf32, #tpu.memory_space<vmem>>, %arg21: memref<112xi32, #tpu.memory_space<vmem>>, %arg22: memref<48xi32, #tpu.memory_space<vmem>>, %arg23: memref<128x32xi32, #tpu.memory_space<vmem>>, %arg24: memref<128x96xf32, #tpu.memory_space<vmem>>, %arg25: memref<128xi32, #tpu.memory_space<vmem>>) attributes {dimension_semantics = [#tpu.dimension_semantics<core_parallel>, #tpu.dimension_semantics<subcore_parallel>], iteration_bounds = array<i64: 2, 16>, scalar_prefetch = 0 : i64, scratch_operands = 13 : i64, tpu.core_type = #tpu.core_type<sc_vector_subcore>, window_params = [{transform_indices = #map}, {transform_indices = #map}, {transform_indices = #map}, {transform_indices = #map}, {transform_indices = #map}, {transform_indices = #map}, {transform_indices = #map}, {transform_indices = #map}, {transform_indices = #map1}, {transform_indices = #map}, {transform_indices = #map1}]} {
    %mul3A = arith.constant 2 : i32
    %mul3A_0 = arith.muli %arg1, %mul3A : i32
    %add3A = arith.addi %mul3A_0, %arg0 : i32
    %mul3A_1 = arith.constant 512 : i32
    %mul3A_2 = arith.muli %add3A, %mul3A_1 : i32
    "tpu.region"() ({
      %run_scoped3A = tpu.sem_alloc : memref<!tpu.dma_semaphore, #tpu.memory_space<semaphore_mem>>
      %dma_start3A = arith.constant 0 : i32
      %dma_start3A_10 = tpu.memref_slice %arg13[%dma_start3A] : memref<16432xf32, #tpu.memory_space<vmem>> -> memref<16384xf32, #tpu.memory_space<vmem>>
      %dma_start3A_11 = arith.constant 0 : i32
      %dma_start3A_12 = tpu.memref_slice %arg13[%dma_start3A_11] : memref<16432xf32, #tpu.memory_space<vmem>> -> memref<16384xf32, #tpu.memory_space<vmem>>
      tpu.enqueue_dma source(%arg5 : memref<16384xf32, #tpu.memory_space<hbm>>) target(%dma_start3A_12 : memref<16384xf32, #tpu.memory_space<vmem>>) target_semaphore(%run_scoped3A : memref<!tpu.dma_semaphore, #tpu.memory_space<semaphore_mem>>)
      %dma_wait3A = arith.constant 0 : i32
      %dma_wait3A_13 = tpu.memref_slice %arg13[%dma_wait3A] : memref<16432xf32, #tpu.memory_space<vmem>> -> memref<16384xf32, #tpu.memory_space<vmem>>
      %dma_wait3A_14 = arith.constant 0 : i32
      %dma_wait3A_15 = tpu.memref_slice %arg13[%dma_wait3A_14] : memref<16432xf32, #tpu.memory_space<vmem>> -> memref<16384xf32, #tpu.memory_space<vmem>>
      tpu.wait_dma2 semaphore(%run_scoped3A : memref<!tpu.dma_semaphore, #tpu.memory_space<semaphore_mem>>) src(%arg5 : memref<16384xf32, #tpu.memory_space<hbm>>) dst(%dma_wait3A_15 : memref<16384xf32, #tpu.memory_space<vmem>>)
      tpu.yield
    }) : () -> ()
    "tpu.region"() ({
      %run_scoped3A = tpu.sem_alloc : memref<!tpu.dma_semaphore, #tpu.memory_space<semaphore_mem>>
      %dma_start3A = arith.constant 0 : i32
      %dma_start3A_10 = tpu.memref_slice %arg14[%dma_start3A] : memref<16432xf32, #tpu.memory_space<vmem>> -> memref<16384xf32, #tpu.memory_space<vmem>>
      %dma_start3A_11 = arith.constant 0 : i32
      %dma_start3A_12 = tpu.memref_slice %arg14[%dma_start3A_11] : memref<16432xf32, #tpu.memory_space<vmem>> -> memref<16384xf32, #tpu.memory_space<vmem>>
      tpu.enqueue_dma source(%arg6 : memref<16384xf32, #tpu.memory_space<hbm>>) target(%dma_start3A_12 : memref<16384xf32, #tpu.memory_space<vmem>>) target_semaphore(%run_scoped3A : memref<!tpu.dma_semaphore, #tpu.memory_space<semaphore_mem>>)
      %dma_wait3A = arith.constant 0 : i32
      %dma_wait3A_13 = tpu.memref_slice %arg14[%dma_wait3A] : memref<16432xf32, #tpu.memory_space<vmem>> -> memref<16384xf32, #tpu.memory_space<vmem>>
      %dma_wait3A_14 = arith.constant 0 : i32
      %dma_wait3A_15 = tpu.memref_slice %arg14[%dma_wait3A_14] : memref<16432xf32, #tpu.memory_space<vmem>> -> memref<16384xf32, #tpu.memory_space<vmem>>
      tpu.wait_dma2 semaphore(%run_scoped3A : memref<!tpu.dma_semaphore, #tpu.memory_space<semaphore_mem>>) src(%arg6 : memref<16384xf32, #tpu.memory_space<hbm>>) dst(%dma_wait3A_15 : memref<16384xf32, #tpu.memory_space<vmem>>)
      tpu.yield
    }) : () -> ()
    "tpu.region"() ({
      %run_scoped3A = tpu.sem_alloc : memref<!tpu.dma_semaphore, #tpu.memory_space<semaphore_mem>>
      %dma_start3A = arith.constant 0 : i32
      %dma_start3A_10 = tpu.memref_slice %arg15[%dma_start3A] : memref<16432xf32, #tpu.memory_space<vmem>> -> memref<16384xf32, #tpu.memory_space<vmem>>
      %dma_start3A_11 = arith.constant 0 : i32
      %dma_start3A_12 = tpu.memref_slice %arg15[%dma_start3A_11] : memref<16432xf32, #tpu.memory_space<vmem>> -> memref<16384xf32, #tpu.memory_space<vmem>>
      tpu.enqueue_dma source(%arg7 : memref<16384xf32, #tpu.memory_space<hbm>>) target(%dma_start3A_12 : memref<16384xf32, #tpu.memory_space<vmem>>) target_semaphore(%run_scoped3A : memref<!tpu.dma_semaphore, #tpu.memory_space<semaphore_mem>>)
      %dma_wait3A = arith.constant 0 : i32
      %dma_wait3A_13 = tpu.memref_slice %arg15[%dma_wait3A] : memref<16432xf32, #tpu.memory_space<vmem>> -> memref<16384xf32, #tpu.memory_space<vmem>>
      %dma_wait3A_14 = arith.constant 0 : i32
      %dma_wait3A_15 = tpu.memref_slice %arg15[%dma_wait3A_14] : memref<16432xf32, #tpu.memory_space<vmem>> -> memref<16384xf32, #tpu.memory_space<vmem>>
      tpu.wait_dma2 semaphore(%run_scoped3A : memref<!tpu.dma_semaphore, #tpu.memory_space<semaphore_mem>>) src(%arg7 : memref<16384xf32, #tpu.memory_space<hbm>>) dst(%dma_wait3A_15 : memref<16384xf32, #tpu.memory_space<vmem>>)
      tpu.yield
    }) : () -> ()
    "tpu.region"() ({
      %run_scoped3A = tpu.sem_alloc : memref<!tpu.dma_semaphore, #tpu.memory_space<semaphore_mem>>
      %dma_start3A = arith.constant 0 : i32
      %dma_start3A_10 = tpu.memref_slice %arg16[%dma_start3A] : memref<16432xi32, #tpu.memory_space<vmem>> -> memref<16384xi32, #tpu.memory_space<vmem>>
      %dma_start3A_11 = arith.constant 0 : i32
      %dma_start3A_12 = tpu.memref_slice %arg16[%dma_start3A_11] : memref<16432xi32, #tpu.memory_space<vmem>> -> memref<16384xi32, #tpu.memory_space<vmem>>
      tpu.enqueue_dma source(%arg8 : memref<16384xi32, #tpu.memory_space<hbm>>) target(%dma_start3A_12 : memref<16384xi32, #tpu.memory_space<vmem>>) target_semaphore(%run_scoped3A : memref<!tpu.dma_semaphore, #tpu.memory_space<semaphore_mem>>)
      %dma_wait3A = arith.constant 0 : i32
      %dma_wait3A_13 = tpu.memref_slice %arg16[%dma_wait3A] : memref<16432xi32, #tpu.memory_space<vmem>> -> memref<16384xi32, #tpu.memory_space<vmem>>
      %dma_wait3A_14 = arith.constant 0 : i32
      %dma_wait3A_15 = tpu.memref_slice %arg16[%dma_wait3A_14] : memref<16432xi32, #tpu.memory_space<vmem>> -> memref<16384xi32, #tpu.memory_space<vmem>>
      tpu.wait_dma2 semaphore(%run_scoped3A : memref<!tpu.dma_semaphore, #tpu.memory_space<semaphore_mem>>) src(%arg8 : memref<16384xi32, #tpu.memory_space<hbm>>) dst(%dma_wait3A_15 : memref<16384xi32, #tpu.memory_space<vmem>>)
      tpu.yield
    }) : () -> ()
    "tpu.region"() ({
      %run_scoped3A = tpu.sem_alloc : memref<!tpu.dma_semaphore, #tpu.memory_space<semaphore_mem>>
      tpu.enqueue_dma source(%arg9 : memref<1744xi32, #tpu.memory_space<hbm>>) target(%arg17 : memref<1744xi32, #tpu.memory_space<vmem>>) target_semaphore(%run_scoped3A : memref<!tpu.dma_semaphore, #tpu.memory_space<semaphore_mem>>)
      tpu.wait_dma2 semaphore(%run_scoped3A : memref<!tpu.dma_semaphore, #tpu.memory_space<semaphore_mem>>) src(%arg9 : memref<1744xi32, #tpu.memory_space<hbm>>) dst(%arg17 : memref<1744xi32, #tpu.memory_space<vmem>>)
      tpu.yield
    }) : () -> ()
    "tpu.region"() ({
      %run_scoped3A = tpu.sem_alloc : memref<!tpu.dma_semaphore, #tpu.memory_space<semaphore_mem>>
      %dma_start3A = arith.constant 0 : i32
      %dma_start3A_10 = tpu.memref_slice %arg18[%dma_start3A] : memref<528xf32, #tpu.memory_space<vmem>> -> memref<512xf32, #tpu.memory_space<vmem>>
      %dma_start3A_11 = tpu.memref_slice %arg2[%mul3A_2] : memref<16384xf32, #tpu.memory_space<hbm>> -> memref<512xf32, #tpu.memory_space<hbm>>
      %dma_start3A_12 = arith.constant 0 : i32
      %dma_start3A_13 = tpu.memref_slice %arg18[%dma_start3A_12] : memref<528xf32, #tpu.memory_space<vmem>> -> memref<512xf32, #tpu.memory_space<vmem>>
      %dma_start3A_14 = tpu.memref_slice %arg2[%mul3A_2] : memref<16384xf32, #tpu.memory_space<hbm>> -> memref<512xf32, #tpu.memory_space<hbm>>
      tpu.enqueue_dma source(%dma_start3A_14 : memref<512xf32, #tpu.memory_space<hbm>>) target(%dma_start3A_13 : memref<512xf32, #tpu.memory_space<vmem>>) target_semaphore(%run_scoped3A : memref<!tpu.dma_semaphore, #tpu.memory_space<semaphore_mem>>)
      %dma_wait3A = arith.constant 0 : i32
      %dma_wait3A_15 = tpu.memref_slice %arg18[%dma_wait3A] : memref<528xf32, #tpu.memory_space<vmem>> -> memref<512xf32, #tpu.memory_space<vmem>>
      %dma_wait3A_16 = tpu.memref_slice %arg2[%mul3A_2] : memref<16384xf32, #tpu.memory_space<hbm>> -> memref<512xf32, #tpu.memory_space<hbm>>
      %dma_wait3A_17 = arith.constant 0 : i32
      %dma_wait3A_18 = tpu.memref_slice %arg18[%dma_wait3A_17] : memref<528xf32, #tpu.memory_space<vmem>> -> memref<512xf32, #tpu.memory_space<vmem>>
      %dma_wait3A_19 = tpu.memref_slice %arg2[%mul3A_2] : memref<16384xf32, #tpu.memory_space<hbm>> -> memref<512xf32, #tpu.memory_space<hbm>>
      tpu.wait_dma2 semaphore(%run_scoped3A : memref<!tpu.dma_semaphore, #tpu.memory_space<semaphore_mem>>) src(%dma_wait3A_19 : memref<512xf32, #tpu.memory_space<hbm>>) dst(%dma_wait3A_18 : memref<512xf32, #tpu.memory_space<vmem>>)
      tpu.yield
    }) : () -> ()
    "tpu.region"() ({
      %run_scoped3A = tpu.sem_alloc : memref<!tpu.dma_semaphore, #tpu.memory_space<semaphore_mem>>
      %dma_start3A = arith.constant 0 : i32
      %dma_start3A_10 = tpu.memref_slice %arg19[%dma_start3A] : memref<528xf32, #tpu.memory_space<vmem>> -> memref<512xf32, #tpu.memory_space<vmem>>
      %dma_start3A_11 = tpu.memref_slice %arg3[%mul3A_2] : memref<16384xf32, #tpu.memory_space<hbm>> -> memref<512xf32, #tpu.memory_space<hbm>>
      %dma_start3A_12 = arith.constant 0 : i32
      %dma_start3A_13 = tpu.memref_slice %arg19[%dma_start3A_12] : memref<528xf32, #tpu.memory_space<vmem>> -> memref<512xf32, #tpu.memory_space<vmem>>
      %dma_start3A_14 = tpu.memref_slice %arg3[%mul3A_2] : memref<16384xf32, #tpu.memory_space<hbm>> -> memref<512xf32, #tpu.memory_space<hbm>>
      tpu.enqueue_dma source(%dma_start3A_14 : memref<512xf32, #tpu.memory_space<hbm>>) target(%dma_start3A_13 : memref<512xf32, #tpu.memory_space<vmem>>) target_semaphore(%run_scoped3A : memref<!tpu.dma_semaphore, #tpu.memory_space<semaphore_mem>>)
      %dma_wait3A = arith.constant 0 : i32
      %dma_wait3A_15 = tpu.memref_slice %arg19[%dma_wait3A] : memref<528xf32, #tpu.memory_space<vmem>> -> memref<512xf32, #tpu.memory_space<vmem>>
      %dma_wait3A_16 = tpu.memref_slice %arg3[%mul3A_2] : memref<16384xf32, #tpu.memory_space<hbm>> -> memref<512xf32, #tpu.memory_space<hbm>>
      %dma_wait3A_17 = arith.constant 0 : i32
      %dma_wait3A_18 = tpu.memref_slice %arg19[%dma_wait3A_17] : memref<528xf32, #tpu.memory_space<vmem>> -> memref<512xf32, #tpu.memory_space<vmem>>
      %dma_wait3A_19 = tpu.memref_slice %arg3[%mul3A_2] : memref<16384xf32, #tpu.memory_space<hbm>> -> memref<512xf32, #tpu.memory_space<hbm>>
      tpu.wait_dma2 semaphore(%run_scoped3A : memref<!tpu.dma_semaphore, #tpu.memory_space<semaphore_mem>>) src(%dma_wait3A_19 : memref<512xf32, #tpu.memory_space<hbm>>) dst(%dma_wait3A_18 : memref<512xf32, #tpu.memory_space<vmem>>)
      tpu.yield
    }) : () -> ()
    "tpu.region"() ({
      %run_scoped3A = tpu.sem_alloc : memref<!tpu.dma_semaphore, #tpu.memory_space<semaphore_mem>>
      %dma_start3A = arith.constant 0 : i32
      %dma_start3A_10 = tpu.memref_slice %arg20[%dma_start3A] : memref<528xf32, #tpu.memory_space<vmem>> -> memref<512xf32, #tpu.memory_space<vmem>>
      %dma_start3A_11 = tpu.memref_slice %arg4[%mul3A_2] : memref<16384xf32, #tpu.memory_space<hbm>> -> memref<512xf32, #tpu.memory_space<hbm>>
      %dma_start3A_12 = arith.constant 0 : i32
      %dma_start3A_13 = tpu.memref_slice %arg20[%dma_start3A_12] : memref<528xf32, #tpu.memory_space<vmem>> -> memref<512xf32, #tpu.memory_space<vmem>>
      %dma_start3A_14 = tpu.memref_slice %arg4[%mul3A_2] : memref<16384xf32, #tpu.memory_space<hbm>> -> memref<512xf32, #tpu.memory_space<hbm>>
      tpu.enqueue_dma source(%dma_start3A_14 : memref<512xf32, #tpu.memory_space<hbm>>) target(%dma_start3A_13 : memref<512xf32, #tpu.memory_space<vmem>>) target_semaphore(%run_scoped3A : memref<!tpu.dma_semaphore, #tpu.memory_space<semaphore_mem>>)
      %dma_wait3A = arith.constant 0 : i32
      %dma_wait3A_15 = tpu.memref_slice %arg20[%dma_wait3A] : memref<528xf32, #tpu.memory_space<vmem>> -> memref<512xf32, #tpu.memory_space<vmem>>
      %dma_wait3A_16 = tpu.memref_slice %arg4[%mul3A_2] : memref<16384xf32, #tpu.memory_space<hbm>> -> memref<512xf32, #tpu.memory_space<hbm>>
      %dma_wait3A_17 = arith.constant 0 : i32
      %dma_wait3A_18 = tpu.memref_slice %arg20[%dma_wait3A_17] : memref<528xf32, #tpu.memory_space<vmem>> -> memref<512xf32, #tpu.memory_space<vmem>>
      %dma_wait3A_19 = tpu.memref_slice %arg4[%mul3A_2] : memref<16384xf32, #tpu.memory_space<hbm>> -> memref<512xf32, #tpu.memory_space<hbm>>
      tpu.wait_dma2 semaphore(%run_scoped3A : memref<!tpu.dma_semaphore, #tpu.memory_space<semaphore_mem>>) src(%dma_wait3A_19 : memref<512xf32, #tpu.memory_space<hbm>>) dst(%dma_wait3A_18 : memref<512xf32, #tpu.memory_space<vmem>>)
      tpu.yield
    }) : () -> ()
    %iota3A = tpu.iota {dimensions = array<i32: 0>} : vector<16xi32>
    %broadcast_in_dim3A = arith.constant 2147483647 : i32
    %broadcast_in_dim3A_3 = vector.broadcast %broadcast_in_dim3A : i32 to vector<16xi32>
    %scan3A = arith.constant 0 : i32
    %scan3A_4 = arith.constant 0 : i32
    %scan3A_5 = arith.constant 4 : i32
    %scan3A_6 = arith.addi %scan3A_4, %scan3A_5 : i32
    %scan3A_7 = arith.constant 1 : i32
    %scan3A_8 = scf.for %scan3A_10 = %scan3A_4 to %scan3A_6 step %scan3A_7 iter_args(%scan3A_11 = %scan3A) -> (i32)  : i32 {
      %scan3A_12 = arith.constant 0 : i32
      %scan3A_13 = arith.constant 0 : i32
      %scan3A_14 = arith.constant 128 : i32
      %scan3A_15 = arith.addi %scan3A_13, %scan3A_14 : i32
      %scan3A_16 = arith.constant 1 : i32
      %scan3A_17 = scf.for %scan3A_23 = %scan3A_13 to %scan3A_15 step %scan3A_16 iter_args(%scan3A_24 = %scan3A_12) -> (i32)  : i32 {
        %mul3A_25 = arith.constant 128 : i32
        %mul3A_26 = arith.muli %scan3A_10, %mul3A_25 : i32
        %add3A_27 = arith.addi %mul3A_26, %scan3A_23 : i32
        %get3A = arith.index_cast %add3A_27 : i32 to index
        %get3A_28 = tpu.vector_load %arg18[%get3A] {strides = array<i32>} : memref<528xf32, #tpu.memory_space<vmem>>, vector<16xf32>,
        %slice3A = vector.extract_strided_slice %get3A_28 {offsets = [0], sizes = [1], strides = [1]} : vector<16xf32> to vector<1xf32>
        %squeeze3A = vector.extract %slice3A[0] : f32 from vector<1xf32>
        %get3A_29 = arith.index_cast %add3A_27 : i32 to index
        %get3A_30 = tpu.vector_load %arg19[%get3A_29] {strides = array<i32>} : memref<528xf32, #tpu.memory_space<vmem>>, vector<16xf32>,
        %slice3A_31 = vector.extract_strided_slice %get3A_30 {offsets = [0], sizes = [1], strides = [1]} : vector<16xf32> to vector<1xf32>
        %squeeze3A_32 = vector.extract %slice3A_31[0] : f32 from vector<1xf32>
        %get3A_33 = arith.index_cast %add3A_27 : i32 to index
        %get3A_34 = tpu.vector_load %arg20[%get3A_33] {strides = array<i32>} : memref<528xf32, #tpu.memory_space<vmem>>, vector<16xf32>,
        %slice3A_35 = vector.extract_strided_slice %get3A_34 {offsets = [0], sizes = [1], strides = [1]} : vector<16xf32> to vector<1xf32>
        %squeeze3A_36 = vector.extract %slice3A_35[0] : f32 from vector<1xf32>
        %mul3A_37 = arith.constant 1.000000e+01 : f32
        %mul3A_38 = arith.mulf %squeeze3A, %mul3A_37 : f32
        %convert_element_type3A = arith.fptosi %mul3A_38 : f32 to i32
        %convert_element_type3A_39 = arith.sitofp %convert_element_type3A : i32 to f32
        %gt3A = arith.cmpf ogt, %convert_element_type3A_39, %mul3A_38 : f32
        %sub3A = arith.constant 1 : i32
        %sub3A_40 = arith.subi %convert_element_type3A, %sub3A : i32
        %select_n3A = arith.select %gt3A, %sub3A_40, %convert_element_type3A : i32
        %min3A = arith.constant 9 : i32
        %min3A_41 = arith.minsi %select_n3A, %min3A : i32
        %mul3A_42 = arith.constant 1.000000e+01 : f32
        %mul3A_43 = arith.mulf %squeeze3A_32, %mul3A_42 : f32
        %convert_element_type3A_44 = arith.fptosi %mul3A_43 : f32 to i32
        %convert_element_type3A_45 = arith.sitofp %convert_element_type3A_44 : i32 to f32
        %gt3A_46 = arith.cmpf ogt, %convert_element_type3A_45, %mul3A_43 : f32
        %sub3A_47 = arith.constant 1 : i32
        %sub3A_48 = arith.subi %convert_element_type3A_44, %sub3A_47 : i32
        %select_n3A_49 = arith.select %gt3A_46, %sub3A_48, %convert_element_type3A_44 : i32
        %min3A_50 = arith.constant 9 : i32
        %min3A_51 = arith.minsi %select_n3A_49, %min3A_50 : i32
        %mul3A_52 = arith.constant 1.000000e+01 : f32
        %mul3A_53 = arith.mulf %squeeze3A_36, %mul3A_52 : f32
        %convert_element_type3A_54 = arith.fptosi %mul3A_53 : f32 to i32
        %convert_element_type3A_55 = arith.sitofp %convert_element_type3A_54 : i32 to f32
        %gt3A_56 = arith.cmpf ogt, %convert_element_type3A_55, %mul3A_53 : f32
        %sub3A_57 = arith.constant 1 : i32
        %sub3A_58 = arith.subi %convert_element_type3A_54, %sub3A_57 : i32
        %select_n3A_59 = arith.select %gt3A_56, %sub3A_58, %convert_element_type3A_54 : i32
        %min3A_60 = arith.constant 9 : i32
        %min3A_61 = arith.minsi %select_n3A_59, %min3A_60 : i32
        %mul3A_62 = arith.constant 12 : i32
        %mul3A_63 = arith.muli %min3A_61, %mul3A_62 : i32
        %add3A_64 = arith.addi %mul3A_63, %min3A_51 : i32
        %mul3A_65 = arith.constant 12 : i32
        %mul3A_66 = arith.muli %add3A_64, %mul3A_65 : i32
        %add3A_67 = arith.addi %mul3A_66, %min3A_41 : i32
        %broadcast_in_dim3A_68 = arith.constant 0 : i32
        %broadcast_in_dim3A_69 = vector.broadcast %broadcast_in_dim3A_68 : i32 to vector<16xi32>
        %add3A_70 = arith.constant 0 : i32
        %add3A_71 = arith.addi %add3A_67, %add3A_70 : i32
        %get3A_72 = arith.index_cast %add3A_71 : i32 to index
        %get3A_73 = tpu.vector_load %arg17[%get3A_72] {strides = array<i32>} : memref<1744xi32, #tpu.memory_space<vmem>>, vector<16xi32>,
        %add3A_74 = arith.constant 0 : i32
        %add3A_75 = arith.addi %add3A_67, %add3A_74 : i32
        %add3A_76 = arith.constant 16 : i32
        %add3A_77 = arith.addi %add3A_75, %add3A_76 : i32
        %get3A_78 = arith.index_cast %add3A_77 : i32 to index
        %get3A_79 = tpu.vector_load %arg17[%get3A_78] {strides = array<i32>} : memref<1744xi32, #tpu.memory_space<vmem>>, vector<16xi32>,
        %slice3A_80 = vector.extract_strided_slice %get3A_73 {offsets = [0], sizes = [1], strides = [1]} : vector<16xi32> to vector<1xi32>
        %squeeze3A_81 = vector.extract %slice3A_80[0] : i32 from vector<1xi32>
        %slice3A_82 = vector.extract_strided_slice %get3A_73 {offsets = [3], sizes = [1], strides = [1]} : vector<16xi32> to vector<1xi32>
        %squeeze3A_83 = vector.extract %slice3A_82[0] : i32 from vector<1xi32>
        %slice3A_84 = vector.extract_strided_slice %get3A_73 {offsets = [12], sizes = [1], strides = [1]} : vector<16xi32> to vector<1xi32>
        %squeeze3A_85 = vector.extract %slice3A_84[0] : i32 from vector<1xi32>
        %slice3A_86 = vector.extract_strided_slice %get3A_73 {offsets = [15], sizes = [1], strides = [1]} : vector<16xi32> to vector<1xi32>
        %squeeze3A_87 = vector.extract %slice3A_86[0] : i32 from vector<1xi32>
        %slice3A_88 = vector.extract_strided_slice %get3A_79 {offsets = [8], sizes = [1], strides = [1]} : vector<16xi32> to vector<1xi32>
        %squeeze3A_89 = vector.extract %slice3A_88[0] : i32 from vector<1xi32>
        %slice3A_90 = vector.extract_strided_slice %get3A_79 {offsets = [11], sizes = [1], strides = [1]} : vector<16xi32> to vector<1xi32>
        %squeeze3A_91 = vector.extract %slice3A_90[0] : i32 from vector<1xi32>
        %eq3A = arith.constant 0 : i32
        %eq3A_92 = vector.broadcast %eq3A : i32 to vector<16xi32>
        %eq3A_93 = arith.cmpi eq, %iota3A, %eq3A_92 : vector<16xi32>
        %broadcast_in_dim3A_94 = vector.broadcast %squeeze3A_81 : i32 to vector<16xi32>
        %select_n3A_95 = arith.select %eq3A_93, %broadcast_in_dim3A_94, %broadcast_in_dim3A_69 : vector<16xi1>, vector<16xi32>
        %eq3A_96 = arith.constant 0 : i32
        %eq3A_97 = vector.broadcast %eq3A_96 : i32 to vector<16xi32>
        %eq3A_98 = arith.cmpi eq, %iota3A, %eq3A_97 : vector<16xi32>
        %broadcast_in_dim3A_99 = vector.broadcast %squeeze3A_83 : i32 to vector<16xi32>
        %select_n3A_100 = arith.select %eq3A_98, %broadcast_in_dim3A_99, %broadcast_in_dim3A_69 : vector<16xi1>, vector<16xi32>
        %eq3A_101 = arith.constant 1 : i32
        %eq3A_102 = vector.broadcast %eq3A_101 : i32 to vector<16xi32>
        %eq3A_103 = arith.cmpi eq, %iota3A, %eq3A_102 : vector<16xi32>
        %broadcast_in_dim3A_104 = vector.broadcast %squeeze3A_85 : i32 to vector<16xi32>
        %select_n3A_105 = arith.select %eq3A_103, %broadcast_in_dim3A_104, %select_n3A_95 : vector<16xi1>, vector<16xi32>
        %eq3A_106 = arith.constant 1 : i32
        %eq3A_107 = vector.broadcast %eq3A_106 : i32 to vector<16xi32>
        %eq3A_108 = arith.cmpi eq, %iota3A, %eq3A_107 : vector<16xi32>
        %broadcast_in_dim3A_109 = vector.broadcast %squeeze3A_87 : i32 to vector<16xi32>
        %select_n3A_110 = arith.select %eq3A_108, %broadcast_in_dim3A_109, %select_n3A_100 : vector<16xi1>, vector<16xi32>
        %eq3A_111 = arith.constant 2 : i32
        %eq3A_112 = vector.broadcast %eq3A_111 : i32 to vector<16xi32>
        %eq3A_113 = arith.cmpi eq, %iota3A, %eq3A_112 : vector<16xi32>
        %broadcast_in_dim3A_114 = vector.broadcast %squeeze3A_89 : i32 to vector<16xi32>
        %select_n3A_115 = arith.select %eq3A_113, %broadcast_in_dim3A_114, %select_n3A_105 : vector<16xi1>, vector<16xi32>
        %eq3A_116 = arith.constant 2 : i32
        %eq3A_117 = vector.broadcast %eq3A_116 : i32 to vector<16xi32>
        %eq3A_118 = arith.cmpi eq, %iota3A, %eq3A_117 : vector<16xi32>
        %broadcast_in_dim3A_119 = vector.broadcast %squeeze3A_91 : i32 to vector<16xi32>
        %select_n3A_120 = arith.select %eq3A_118, %broadcast_in_dim3A_119, %select_n3A_110 : vector<16xi1>, vector<16xi32>
        %add3A_121 = arith.constant 144 : i32
        %add3A_122 = arith.addi %add3A_67, %add3A_121 : i32
        %get3A_123 = arith.index_cast %add3A_122 : i32 to index
        %get3A_124 = tpu.vector_load %arg17[%get3A_123] {strides = array<i32>} : memref<1744xi32, #tpu.memory_space<vmem>>, vector<16xi32>,
        %add3A_125 = arith.constant 144 : i32
        %add3A_126 = arith.addi %add3A_67, %add3A_125 : i32
        %add3A_127 = arith.constant 16 : i32
        %add3A_128 = arith.addi %add3A_126, %add3A_127 : i32
        %get3A_129 = arith.index_cast %add3A_128 : i32 to index
        %get3A_130 = tpu.vector_load %arg17[%get3A_129] {strides = array<i32>} : memref<1744xi32, #tpu.memory_space<vmem>>, vector<16xi32>,
        %slice3A_131 = vector.extract_strided_slice %get3A_124 {offsets = [0], sizes = [1], strides = [1]} : vector<16xi32> to vector<1xi32>
        %squeeze3A_132 = vector.extract %slice3A_131[0] : i32 from vector<1xi32>
        %slice3A_133 = vector.extract_strided_slice %get3A_124 {offsets = [3], sizes = [1], strides = [1]} : vector<16xi32> to vector<1xi32>
        %squeeze3A_134 = vector.extract %slice3A_133[0] : i32 from vector<1xi32>
        %slice3A_135 = vector.extract_strided_slice %get3A_124 {offsets = [12], sizes = [1], strides = [1]} : vector<16xi32> to vector<1xi32>
        %squeeze3A_136 = vector.extract %slice3A_135[0] : i32 from vector<1xi32>
        %slice3A_137 = vector.extract_strided_slice %get3A_124 {offsets = [15], sizes = [1], strides = [1]} : vector<16xi32> to vector<1xi32>
        %squeeze3A_138 = vector.extract %slice3A_137[0] : i32 from vector<1xi32>
        %slice3A_139 = vector.extract_strided_slice %get3A_130 {offsets = [8], sizes = [1], strides = [1]} : vector<16xi32> to vector<1xi32>
        %squeeze3A_140 = vector.extract %slice3A_139[0] : i32 from vector<1xi32>
        %slice3A_141 = vector.extract_strided_slice %get3A_130 {offsets = [11], sizes = [1], strides = [1]} : vector<16xi32> to vector<1xi32>
        %squeeze3A_142 = vector.extract %slice3A_141[0] : i32 from vector<1xi32>
        %eq3A_143 = arith.constant 3 : i32
        %eq3A_144 = vector.broadcast %eq3A_143 : i32 to vector<16xi32>
        %eq3A_145 = arith.cmpi eq, %iota3A, %eq3A_144 : vector<16xi32>
        %broadcast_in_dim3A_146 = vector.broadcast %squeeze3A_132 : i32 to vector<16xi32>
        %select_n3A_147 = arith.select %eq3A_145, %broadcast_in_dim3A_146, %select_n3A_115 : vector<16xi1>, vector<16xi32>
        %eq3A_148 = arith.constant 3 : i32
        %eq3A_149 = vector.broadcast %eq3A_148 : i32 to vector<16xi32>
        %eq3A_150 = arith.cmpi eq, %iota3A, %eq3A_149 : vector<16xi32>
        %broadcast_in_dim3A_151 = vector.broadcast %squeeze3A_134 : i32 to vector<16xi32>
        %select_n3A_152 = arith.select %eq3A_150, %broadcast_in_dim3A_151, %select_n3A_120 : vector<16xi1>, vector<16xi32>
        %eq3A_153 = arith.constant 4 : i32
        %eq3A_154 = vector.broadcast %eq3A_153 : i32 to vector<16xi32>
        %eq3A_155 = arith.cmpi eq, %iota3A, %eq3A_154 : vector<16xi32>
        %broadcast_in_dim3A_156 = vector.broadcast %squeeze3A_136 : i32 to vector<16xi32>
        %select_n3A_157 = arith.select %eq3A_155, %broadcast_in_dim3A_156, %select_n3A_147 : vector<16xi1>, vector<16xi32>
        %eq3A_158 = arith.constant 4 : i32
        %eq3A_159 = vector.broadcast %eq3A_158 : i32 to vector<16xi32>
        %eq3A_160 = arith.cmpi eq, %iota3A, %eq3A_159 : vector<16xi32>
        %broadcast_in_dim3A_161 = vector.broadcast %squeeze3A_138 : i32 to vector<16xi32>
        %select_n3A_162 = arith.select %eq3A_160, %broadcast_in_dim3A_161, %select_n3A_152 : vector<16xi1>, vector<16xi32>
        %eq3A_163 = arith.constant 5 : i32
        %eq3A_164 = vector.broadcast %eq3A_163 : i32 to vector<16xi32>
        %eq3A_165 = arith.cmpi eq, %iota3A, %eq3A_164 : vector<16xi32>
        %broadcast_in_dim3A_166 = vector.broadcast %squeeze3A_140 : i32 to vector<16xi32>
        %select_n3A_167 = arith.select %eq3A_165, %broadcast_in_dim3A_166, %select_n3A_157 : vector<16xi1>, vector<16xi32>
        %eq3A_168 = arith.constant 5 : i32
        %eq3A_169 = vector.broadcast %eq3A_168 : i32 to vector<16xi32>
        %eq3A_170 = arith.cmpi eq, %iota3A, %eq3A_169 : vector<16xi32>
        %broadcast_in_dim3A_171 = vector.broadcast %squeeze3A_142 : i32 to vector<16xi32>
        %select_n3A_172 = arith.select %eq3A_170, %broadcast_in_dim3A_171, %select_n3A_162 : vector<16xi1>, vector<16xi32>
        %add3A_173 = arith.constant 288 : i32
        %add3A_174 = arith.addi %add3A_67, %add3A_173 : i32
        %get3A_175 = arith.index_cast %add3A_174 : i32 to index
        %get3A_176 = tpu.vector_load %arg17[%get3A_175] {strides = array<i32>} : memref<1744xi32, #tpu.memory_space<vmem>>, vector<16xi32>,
        %add3A_177 = arith.constant 288 : i32
        %add3A_178 = arith.addi %add3A_67, %add3A_177 : i32
        %add3A_179 = arith.constant 16 : i32
        %add3A_180 = arith.addi %add3A_178, %add3A_179 : i32
        %get3A_181 = arith.index_cast %add3A_180 : i32 to index
        %get3A_182 = tpu.vector_load %arg17[%get3A_181] {strides = array<i32>} : memref<1744xi32, #tpu.memory_space<vmem>>, vector<16xi32>,
        %slice3A_183 = vector.extract_strided_slice %get3A_176 {offsets = [0], sizes = [1], strides = [1]} : vector<16xi32> to vector<1xi32>
        %squeeze3A_184 = vector.extract %slice3A_183[0] : i32 from vector<1xi32>
        %slice3A_185 = vector.extract_strided_slice %get3A_176 {offsets = [3], sizes = [1], strides = [1]} : vector<16xi32> to vector<1xi32>
        %squeeze3A_186 = vector.extract %slice3A_185[0] : i32 from vector<1xi32>
        %slice3A_187 = vector.extract_strided_slice %get3A_176 {offsets = [12], sizes = [1], strides = [1]} : vector<16xi32> to vector<1xi32>
        %squeeze3A_188 = vector.extract %slice3A_187[0] : i32 from vector<1xi32>
        %slice3A_189 = vector.extract_strided_slice %get3A_176 {offsets = [15], sizes = [1], strides = [1]} : vector<16xi32> to vector<1xi32>
        %squeeze3A_190 = vector.extract %slice3A_189[0] : i32 from vector<1xi32>
        %slice3A_191 = vector.extract_strided_slice %get3A_182 {offsets = [8], sizes = [1], strides = [1]} : vector<16xi32> to vector<1xi32>
        %squeeze3A_192 = vector.extract %slice3A_191[0] : i32 from vector<1xi32>
        %slice3A_193 = vector.extract_strided_slice %get3A_182 {offsets = [11], sizes = [1], strides = [1]} : vector<16xi32> to vector<1xi32>
        %squeeze3A_194 = vector.extract %slice3A_193[0] : i32 from vector<1xi32>
        %eq3A_195 = arith.constant 6 : i32
        %eq3A_196 = vector.broadcast %eq3A_195 : i32 to vector<16xi32>
        %eq3A_197 = arith.cmpi eq, %iota3A, %eq3A_196 : vector<16xi32>
        %broadcast_in_dim3A_198 = vector.broadcast %squeeze3A_184 : i32 to vector<16xi32>
        %select_n3A_199 = arith.select %eq3A_197, %broadcast_in_dim3A_198, %select_n3A_167 : vector<16xi1>, vector<16xi32>
        %eq3A_200 = arith.constant 6 : i32
        %eq3A_201 = vector.broadcast %eq3A_200 : i32 to vector<16xi32>
        %eq3A_202 = arith.cmpi eq, %iota3A, %eq3A_201 : vector<16xi32>
        %broadcast_in_dim3A_203 = vector.broadcast %squeeze3A_186 : i32 to vector<16xi32>
        %select_n3A_204 = arith.select %eq3A_202, %broadcast_in_dim3A_203, %select_n3A_172 : vector<16xi1>, vector<16xi32>
        %eq3A_205 = arith.constant 7 : i32
        %eq3A_206 = vector.broadcast %eq3A_205 : i32 to vector<16xi32>
        %eq3A_207 = arith.cmpi eq, %iota3A, %eq3A_206 : vector<16xi32>
        %broadcast_in_dim3A_208 = vector.broadcast %squeeze3A_188 : i32 to vector<16xi32>
        %select_n3A_209 = arith.select %eq3A_207, %broadcast_in_dim3A_208, %select_n3A_199 : vector<16xi1>, vector<16xi32>
        %eq3A_210 = arith.constant 7 : i32
        %eq3A_211 = vector.broadcast %eq3A_210 : i32 to vector<16xi32>
        %eq3A_212 = arith.cmpi eq, %iota3A, %eq3A_211 : vector<16xi32>
        %broadcast_in_dim3A_213 = vector.broadcast %squeeze3A_190 : i32 to vector<16xi32>
        %select_n3A_214 = arith.select %eq3A_212, %broadcast_in_dim3A_213, %select_n3A_204 : vector<16xi1>, vector<16xi32>
        %eq3A_215 = arith.constant 8 : i32
        %eq3A_216 = vector.broadcast %eq3A_215 : i32 to vector<16xi32>
        %eq3A_217 = arith.cmpi eq, %iota3A, %eq3A_216 : vector<16xi32>
        %broadcast_in_dim3A_218 = vector.broadcast %squeeze3A_192 : i32 to vector<16xi32>
        %select_n3A_219 = arith.select %eq3A_217, %broadcast_in_dim3A_218, %select_n3A_209 : vector<16xi1>, vector<16xi32>
        %eq3A_220 = arith.constant 8 : i32
        %eq3A_221 = vector.broadcast %eq3A_220 : i32 to vector<16xi32>
        %eq3A_222 = arith.cmpi eq, %iota3A, %eq3A_221 : vector<16xi32>
        %broadcast_in_dim3A_223 = vector.broadcast %squeeze3A_194 : i32 to vector<16xi32>
        %select_n3A_224 = arith.select %eq3A_222, %broadcast_in_dim3A_223, %select_n3A_214 : vector<16xi1>, vector<16xi32>
        %swap3A = arith.constant 0 : index
        %swap3A_225 = tpu.vector_load %arg22[%swap3A] {strides = array<i32>} : memref<48xi32, #tpu.memory_space<vmem>>, vector<16xi32>,
        tpu.vector_store %arg22[%swap3A], %select_n3A_219 {strides = array<i32>} : memref<48xi32, #tpu.memory_space<vmem>>, vector<16xi32>,
        %swap3A_226 = arith.constant 16 : index
        %swap3A_227 = tpu.vector_load %arg22[%swap3A_226] {strides = array<i32>} : memref<48xi32, #tpu.memory_space<vmem>>, vector<16xi32>,
        tpu.vector_store %arg22[%swap3A_226], %select_n3A_224 {strides = array<i32>} : memref<48xi32, #tpu.memory_space<vmem>>, vector<16xi32>,
        %scan3A_228 = arith.constant 0 : i32
        %scan3A_229 = arith.constant 0 : i32
        %scan3A_230 = arith.constant 9 : i32
        %scan3A_231 = arith.addi %scan3A_229, %scan3A_230 : i32
        %scan3A_232 = arith.constant 1 : i32
        %scan3A_233 = scf.for %scan3A_371 = %scan3A_229 to %scan3A_231 step %scan3A_232 iter_args(%scan3A_372 = %scan3A_228) -> (i32)  : i32 {
          %get3A_373 = arith.index_cast %scan3A_371 : i32 to index
          %get3A_374 = tpu.vector_load %arg22[%get3A_373] {strides = array<i32>} : memref<48xi32, #tpu.memory_space<vmem>>, vector<16xi32>,
          %slice3A_375 = vector.extract_strided_slice %get3A_374 {offsets = [0], sizes = [1], strides = [1]} : vector<16xi32> to vector<1xi32>
          %squeeze3A_376 = vector.extract %slice3A_375[0] : i32 from vector<1xi32>
          %add3A_377 = arith.constant 16 : i32
          %add3A_378 = arith.addi %add3A_377, %scan3A_371 : i32
          %get3A_379 = arith.index_cast %add3A_378 : i32 to index
          %get3A_380 = tpu.vector_load %arg22[%get3A_379] {strides = array<i32>} : memref<48xi32, #tpu.memory_space<vmem>>, vector<16xi32>,
          %slice3A_381 = vector.extract_strided_slice %get3A_380 {offsets = [0], sizes = [1], strides = [1]} : vector<16xi32> to vector<1xi32>
          %squeeze3A_382 = vector.extract %slice3A_381[0] : i32 from vector<1xi32>
          %sub3A_383 = arith.subi %squeeze3A_382, %squeeze3A_376 : i32
          %add3A_384 = arith.addi %scan3A_372, %sub3A_383 : i32
          %gt3A_385 = arith.constant 96 : i32
          %gt3A_386 = arith.cmpi sgt, %add3A_384, %gt3A_385 : i32
          %convert_element_type3A_387 = arith.extui %gt3A_386 : i1 to i32
          %cond3A_388 = arith.constant 0 : i32
          %cond3A_389 = arith.cmpi ne, %convert_element_type3A_387, %cond3A_388 : i32
          %cond3A_390 = scf.if %cond3A_389 -> (i32) {
            %add3A_391 = arith.constant 15 : i32
            %add3A_392 = arith.addi %sub3A_383, %add3A_391 : i32
            %shift_right_arithmetic3A_393 = arith.constant 4 : i32
            %shift_right_arithmetic3A_394 = arith.shrsi %add3A_392, %shift_right_arithmetic3A_393 : i32
            %while3A = arith.constant 0 : i32
            %while3A_395 = arith.subi %shift_right_arithmetic3A_394, %while3A : i32
            %while3A_396 = arith.addi %while3A, %while3A_395 : i32
            %while3A_397 = arith.constant 1 : i32
            %while3A_398 = arith.divsi %while3A_395, %while3A_397 : i32
            %while3A_399 = arith.muli %while3A_398, %while3A_397 : i32
            %while3A_400 = arith.addi %while3A, %while3A_399 : i32
            %while3A_401 = arith.constant 1 : i32
            %while3A_402 = scf.for %while3A_405 = %while3A to %while3A_400 step %while3A_401 iter_args(%while3A_406 = %scan3A_372) -> (i32)  : i32 {
              %mul3A_407 = arith.constant 16 : i32
              %mul3A_408 = arith.muli %while3A_405, %mul3A_407 : i32
              %add3A_409 = arith.addi %squeeze3A_376, %mul3A_408 : i32
              %sub3A_410 = arith.subi %squeeze3A_382, %add3A_409 : i32
              %lt3A_411 = vector.broadcast %sub3A_410 : i32 to vector<16xi32>
              %lt3A_412 = arith.cmpi slt, %iota3A, %lt3A_411 : vector<16xi32>
              %get3A_413 = arith.index_cast %add3A_409 : i32 to index
              %get3A_414 = tpu.vector_load %arg13[%get3A_413] {strides = array<i32>} : memref<16432xf32, #tpu.memory_space<vmem>>, vector<16xf32>,
              %get3A_415 = arith.index_cast %add3A_409 : i32 to index
              %get3A_416 = tpu.vector_load %arg14[%get3A_415] {strides = array<i32>} : memref<16432xf32, #tpu.memory_space<vmem>>, vector<16xf32>,
              %get3A_417 = arith.index_cast %add3A_409 : i32 to index
              %get3A_418 = tpu.vector_load %arg15[%get3A_417] {strides = array<i32>} : memref<16432xf32, #tpu.memory_space<vmem>>, vector<16xf32>,
              %get3A_419 = arith.index_cast %add3A_409 : i32 to index
              %get3A_420 = tpu.vector_load %arg16[%get3A_419] {strides = array<i32>} : memref<16432xi32, #tpu.memory_space<vmem>>, vector<16xi32>,
              %sub3A_421 = vector.broadcast %squeeze3A : f32 to vector<16xf32>
              %sub3A_422 = arith.subf %get3A_414, %sub3A_421 : vector<16xf32>
              %sub3A_423 = vector.broadcast %squeeze3A_32 : f32 to vector<16xf32>
              %sub3A_424 = arith.subf %get3A_416, %sub3A_423 : vector<16xf32>
              %sub3A_425 = vector.broadcast %squeeze3A_36 : f32 to vector<16xf32>
              %sub3A_426 = arith.subf %get3A_418, %sub3A_425 : vector<16xf32>
              %mul3A_427 = arith.mulf %sub3A_422, %sub3A_422 : vector<16xf32>
              %mul3A_428 = arith.mulf %sub3A_424, %sub3A_424 : vector<16xf32>
              %add3A_429 = arith.addf %mul3A_427, %mul3A_428 : vector<16xf32>
              %mul3A_430 = arith.mulf %sub3A_426, %sub3A_426 : vector<16xf32>
              %add3A_431 = arith.addf %add3A_429, %mul3A_430 : vector<16xf32>
              %le3A = arith.constant 0.00999999977 : f32
              %le3A_432 = vector.broadcast %le3A : f32 to vector<16xf32>
              %le3A_433 = arith.cmpf ole, %add3A_431, %le3A_432 : vector<16xf32>
              %and3A_434 = arith.andi %le3A_433, %lt3A_412 : vector<16xi1>
              %jit3A_435 = arith.constant 1 : i32
              %jit3A_436 = arith.constant 0 : i32
              %broadcast_in_dim3A_437 = vector.broadcast %jit3A_435 : i32 to vector<16xi32>
              %broadcast_in_dim3A_438 = vector.broadcast %jit3A_436 : i32 to vector<16xi32>
              %select_n3A_439 = arith.select %and3A_434, %broadcast_in_dim3A_437, %broadcast_in_dim3A_438 : vector<16xi1>, vector<16xi32>
              %reduce_sum3A = arith.constant true
              %reduce_sum3A_440 = vector.broadcast %reduce_sum3A : i1 to vector<16xi1>
              %reduce_sum3A_441 = tpu.scan <sum>, %select_n3A_439 masked %reduce_sum3A_440 : vector<16xi32>, vector<16xi1> -> vector<16xi32>
              %reduce_sum3A_442 = vector.extract %reduce_sum3A_441[15] : i32 from vector<16xi32>
              %gt3A_443 = arith.constant 80 : i32
              %gt3A_444 = arith.cmpi sgt, %while3A_406, %gt3A_443 : i32
              %convert_element_type3A_445 = arith.extui %gt3A_444 : i1 to i32
              %cond3A_446 = arith.constant 0 : i32
              %cond3A_447 = arith.cmpi ne, %convert_element_type3A_445, %cond3A_446 : i32
              %cond3A_448 = scf.if %cond3A_447 -> (i32) {
                %get3A_452 = arith.constant 0 : index
                %get3A_453 = tpu.vector_load %arg21[%get3A_452] {strides = array<i32>} : memref<112xi32, #tpu.memory_space<vmem>>, vector<16xi32>,
                %sub3A_454 = arith.constant 0 : i32
                %sub3A_455 = arith.subi %while3A_406, %sub3A_454 : i32
                %lt3A_456 = vector.broadcast %sub3A_455 : i32 to vector<16xi32>
                %lt3A_457 = arith.cmpi slt, %iota3A, %lt3A_456 : vector<16xi32>
                %select_n3A_458 = arith.select %lt3A_457, %get3A_453, %broadcast_in_dim3A_3 : vector<16xi1>, vector<16xi32>
                %sort3A = arith.constant dense<true> : vector<16xi1>
                %sort3A_459, %sort3A_460, %sort3A_461 = tpu.sort %select_n3A_458, %select_n3A_458 masked %sort3A : (vector<16xi32>, vector<16xi32>, vector<16xi1>) -> (vector<16xi1>, vector<16xi32>, vector<16xi32>)
                %rev3A = arith.constant 15 : i32
                %rev3A_462 = vector.broadcast %rev3A : i32 to vector<16xi32>
                %rev3A_463 = tpu.iota {dimensions = array<i32: 0>} : vector<16xi32>
                %rev3A_464 = arith.subi %rev3A_462, %rev3A_463 : vector<16xi32>
                %rev3A_465 = tpu.dynamic_gather %sort3A_460[%rev3A_464] in [0] : vector<16xi32>, vector<16xi32> -> vector<16xi32>
                %min3A_466 = arith.minsi %broadcast_in_dim3A_3, %rev3A_465 : vector<16xi32>
                %min3A_467 = arith.minsi %broadcast_in_dim3A_3, %min3A_466 : vector<16xi32>
                %max3A = arith.maxsi %broadcast_in_dim3A_3, %min3A_466 : vector<16xi32>
                %sort3A_468 = arith.constant dense<true> : vector<16xi1>
                %sort3A_469, %sort3A_470, %sort3A_471 = tpu.sort %min3A_467, %min3A_467 masked %sort3A_468 : (vector<16xi32>, vector<16xi32>, vector<16xi1>) -> (vector<16xi1>, vector<16xi32>, vector<16xi32>)
                %sort3A_472 = arith.constant dense<true> : vector<16xi1>
                %sort3A_473, %sort3A_474, %sort3A_475 = tpu.sort %max3A, %max3A masked %sort3A_472 : (vector<16xi32>, vector<16xi32>, vector<16xi1>) -> (vector<16xi1>, vector<16xi32>, vector<16xi32>)
                %get3A_476 = arith.constant 16 : index
                %get3A_477 = tpu.vector_load %arg21[%get3A_476] {strides = array<i32>} : memref<112xi32, #tpu.memory_space<vmem>>, vector<16xi32>,
                %sub3A_478 = arith.constant 16 : i32
                %sub3A_479 = arith.subi %while3A_406, %sub3A_478 : i32
                %lt3A_480 = vector.broadcast %sub3A_479 : i32 to vector<16xi32>
                %lt3A_481 = arith.cmpi slt, %iota3A, %lt3A_480 : vector<16xi32>
                %select_n3A_482 = arith.select %lt3A_481, %get3A_477, %broadcast_in_dim3A_3 : vector<16xi1>, vector<16xi32>
                %sort3A_483 = arith.constant dense<true> : vector<16xi1>
                %sort3A_484, %sort3A_485, %sort3A_486 = tpu.sort %select_n3A_482, %select_n3A_482 masked %sort3A_483 : (vector<16xi32>, vector<16xi32>, vector<16xi1>) -> (vector<16xi1>, vector<16xi32>, vector<16xi32>)
                %rev3A_487 = arith.constant 15 : i32
                %rev3A_488 = vector.broadcast %rev3A_487 : i32 to vector<16xi32>
                %rev3A_489 = tpu.iota {dimensions = array<i32: 0>} : vector<16xi32>
                %rev3A_490 = arith.subi %rev3A_488, %rev3A_489 : vector<16xi32>
                %rev3A_491 = tpu.dynamic_gather %sort3A_485[%rev3A_490] in [0] : vector<16xi32>, vector<16xi32> -> vector<16xi32>
                %min3A_492 = arith.minsi %sort3A_474, %rev3A_491 : vector<16xi32>
                %min3A_493 = arith.minsi %sort3A_470, %min3A_492 : vector<16xi32>
                %max3A_494 = arith.maxsi %sort3A_470, %min3A_492 : vector<16xi32>
                %sort3A_495 = arith.constant dense<true> : vector<16xi1>
                %sort3A_496, %sort3A_497, %sort3A_498 = tpu.sort %min3A_493, %min3A_493 masked %sort3A_495 : (vector<16xi32>, vector<16xi32>, vector<16xi1>) -> (vector<16xi1>, vector<16xi32>, vector<16xi32>)
                %sort3A_499 = arith.constant dense<true> : vector<16xi1>
                %sort3A_500, %sort3A_501, %sort3A_502 = tpu.sort %max3A_494, %max3A_494 masked %sort3A_499 : (vector<16xi32>, vector<16xi32>, vector<16xi1>) -> (vector<16xi1>, vector<16xi32>, vector<16xi32>)
                %get3A_503 = arith.constant 32 : index
                %get3A_504 = tpu.vector_load %arg21[%get3A_503] {strides = array<i32>} : memref<112xi32, #tpu.memory_space<vmem>>, vector<16xi32>,
                %sub3A_505 = arith.constant 32 : i32
                %sub3A_506 = arith.subi %while3A_406, %sub3A_505 : i32
                %lt3A_507 = vector.broadcast %sub3A_506 : i32 to vector<16xi32>
                %lt3A_508 = arith.cmpi slt, %iota3A, %lt3A_507 : vector<16xi32>
                %select_n3A_509 = arith.select %lt3A_508, %get3A_504, %broadcast_in_dim3A_3 : vector<16xi1>, vector<16xi32>
                %sort3A_510 = arith.constant dense<true> : vector<16xi1>
                %sort3A_511, %sort3A_512, %sort3A_513 = tpu.sort %select_n3A_509, %select_n3A_509 masked %sort3A_510 : (vector<16xi32>, vector<16xi32>, vector<16xi1>) -> (vector<16xi1>, vector<16xi32>, vector<16xi32>)
                %rev3A_514 = arith.constant 15 : i32
                %rev3A_515 = vector.broadcast %rev3A_514 : i32 to vector<16xi32>
                %rev3A_516 = tpu.iota {dimensions = array<i32: 0>} : vector<16xi32>
                %rev3A_517 = arith.subi %rev3A_515, %rev3A_516 : vector<16xi32>
                %rev3A_518 = tpu.dynamic_gather %sort3A_512[%rev3A_517] in [0] : vector<16xi32>, vector<16xi32> -> vector<16xi32>
                %min3A_519 = arith.minsi %sort3A_501, %rev3A_518 : vector<16xi32>
                %min3A_520 = arith.minsi %sort3A_497, %min3A_519 : vector<16xi32>
                %max3A_521 = arith.maxsi %sort3A_497, %min3A_519 : vector<16xi32>
                %sort3A_522 = arith.constant dense<true> : vector<16xi1>
                %sort3A_523, %sort3A_524, %sort3A_525 = tpu.sort %min3A_520, %min3A_520 masked %sort3A_522 : (vector<16xi32>, vector<16xi32>, vector<16xi1>) -> (vector<16xi1>, vector<16xi32>, vector<16xi32>)
                %sort3A_526 = arith.constant dense<true> : vector<16xi1>
                %sort3A_527, %sort3A_528, %sort3A_529 = tpu.sort %max3A_521, %max3A_521 masked %sort3A_526 : (vector<16xi32>, vector<16xi32>, vector<16xi1>) -> (vector<16xi1>, vector<16xi32>, vector<16xi32>)
                %get3A_530 = arith.constant 48 : index
                %get3A_531 = tpu.vector_load %arg21[%get3A_530] {strides = array<i32>} : memref<112xi32, #tpu.memory_space<vmem>>, vector<16xi32>,
                %sub3A_532 = arith.constant 48 : i32
                %sub3A_533 = arith.subi %while3A_406, %sub3A_532 : i32
                %lt3A_534 = vector.broadcast %sub3A_533 : i32 to vector<16xi32>
                %lt3A_535 = arith.cmpi slt, %iota3A, %lt3A_534 : vector<16xi32>
                %select_n3A_536 = arith.select %lt3A_535, %get3A_531, %broadcast_in_dim3A_3 : vector<16xi1>, vector<16xi32>
                %sort3A_537 = arith.constant dense<true> : vector<16xi1>
                %sort3A_538, %sort3A_539, %sort3A_540 = tpu.sort %select_n3A_536, %select_n3A_536 masked %sort3A_537 : (vector<16xi32>, vector<16xi32>, vector<16xi1>) -> (vector<16xi1>, vector<16xi32>, vector<16xi32>)
                %rev3A_541 = arith.constant 15 : i32
                %rev3A_542 = vector.broadcast %rev3A_541 : i32 to vector<16xi32>
                %rev3A_543 = tpu.iota {dimensions = array<i32: 0>} : vector<16xi32>
                %rev3A_544 = arith.subi %rev3A_542, %rev3A_543 : vector<16xi32>
                %rev3A_545 = tpu.dynamic_gather %sort3A_539[%rev3A_544] in [0] : vector<16xi32>, vector<16xi32> -> vector<16xi32>
                %min3A_546 = arith.minsi %sort3A_528, %rev3A_545 : vector<16xi32>
                %min3A_547 = arith.minsi %sort3A_524, %min3A_546 : vector<16xi32>
                %max3A_548 = arith.maxsi %sort3A_524, %min3A_546 : vector<16xi32>
                %sort3A_549 = arith.constant dense<true> : vector<16xi1>
                %sort3A_550, %sort3A_551, %sort3A_552 = tpu.sort %min3A_547, %min3A_547 masked %sort3A_549 : (vector<16xi32>, vector<16xi32>, vector<16xi1>) -> (vector<16xi1>, vector<16xi32>, vector<16xi32>)
                %sort3A_553 = arith.constant dense<true> : vector<16xi1>
                %sort3A_554, %sort3A_555, %sort3A_556 = tpu.sort %max3A_548, %max3A_548 masked %sort3A_553 : (vector<16xi32>, vector<16xi32>, vector<16xi1>) -> (vector<16xi1>, vector<16xi32>, vector<16xi32>)
                %get3A_557 = arith.constant 64 : index
                %get3A_558 = tpu.vector_load %arg21[%get3A_557] {strides = array<i32>} : memref<112xi32, #tpu.memory_space<vmem>>, vector<16xi32>,
                %sub3A_559 = arith.constant 64 : i32
                %sub3A_560 = arith.subi %while3A_406, %sub3A_559 : i32
                %lt3A_561 = vector.broadcast %sub3A_560 : i32 to vector<16xi32>
                %lt3A_562 = arith.cmpi slt, %iota3A, %lt3A_561 : vector<16xi32>
                %select_n3A_563 = arith.select %lt3A_562, %get3A_558, %broadcast_in_dim3A_3 : vector<16xi1>, vector<16xi32>
                %sort3A_564 = arith.constant dense<true> : vector<16xi1>
                %sort3A_565, %sort3A_566, %sort3A_567 = tpu.sort %select_n3A_563, %select_n3A_563 masked %sort3A_564 : (vector<16xi32>, vector<16xi32>, vector<16xi1>) -> (vector<16xi1>, vector<16xi32>, vector<16xi32>)
                %rev3A_568 = arith.constant 15 : i32
                %rev3A_569 = vector.broadcast %rev3A_568 : i32 to vector<16xi32>
                %rev3A_570 = tpu.iota {dimensions = array<i32: 0>} : vector<16xi32>
                %rev3A_571 = arith.subi %rev3A_569, %rev3A_570 : vector<16xi32>
                %rev3A_572 = tpu.dynamic_gather %sort3A_566[%rev3A_571] in [0] : vector<16xi32>, vector<16xi32> -> vector<16xi32>
                %min3A_573 = arith.minsi %sort3A_555, %rev3A_572 : vector<16xi32>
                %min3A_574 = arith.minsi %sort3A_551, %min3A_573 : vector<16xi32>
                %max3A_575 = arith.maxsi %sort3A_551, %min3A_573 : vector<16xi32>
                %sort3A_576 = arith.constant dense<true> : vector<16xi1>
                %sort3A_577, %sort3A_578, %sort3A_579 = tpu.sort %min3A_574, %min3A_574 masked %sort3A_576 : (vector<16xi32>, vector<16xi32>, vector<16xi1>) -> (vector<16xi1>, vector<16xi32>, vector<16xi32>)
                %sort3A_580 = arith.constant dense<true> : vector<16xi1>
                %sort3A_581, %sort3A_582, %sort3A_583 = tpu.sort %max3A_575, %max3A_575 masked %sort3A_580 : (vector<16xi32>, vector<16xi32>, vector<16xi1>) -> (vector<16xi1>, vector<16xi32>, vector<16xi32>)
                %get3A_584 = arith.constant 80 : index
                %get3A_585 = tpu.vector_load %arg21[%get3A_584] {strides = array<i32>} : memref<112xi32, #tpu.memory_space<vmem>>, vector<16xi32>,
                %sub3A_586 = arith.constant 80 : i32
                %sub3A_587 = arith.subi %while3A_406, %sub3A_586 : i32
                %lt3A_588 = vector.broadcast %sub3A_587 : i32 to vector<16xi32>
                %lt3A_589 = arith.cmpi slt, %iota3A, %lt3A_588 : vector<16xi32>
                %select_n3A_590 = arith.select %lt3A_589, %get3A_585, %broadcast_in_dim3A_3 : vector<16xi1>, vector<16xi32>
                %sort3A_591 = arith.constant dense<true> : vector<16xi1>
                %sort3A_592, %sort3A_593, %sort3A_594 = tpu.sort %select_n3A_590, %select_n3A_590 masked %sort3A_591 : (vector<16xi32>, vector<16xi32>, vector<16xi1>) -> (vector<16xi1>, vector<16xi32>, vector<16xi32>)
                %rev3A_595 = arith.constant 15 : i32
                %rev3A_596 = vector.broadcast %rev3A_595 : i32 to vector<16xi32>
                %rev3A_597 = tpu.iota {dimensions = array<i32: 0>} : vector<16xi32>
                %rev3A_598 = arith.subi %rev3A_596, %rev3A_597 : vector<16xi32>
                %rev3A_599 = tpu.dynamic_gather %sort3A_593[%rev3A_598] in [0] : vector<16xi32>, vector<16xi32> -> vector<16xi32>
                %min3A_600 = arith.minsi %sort3A_582, %rev3A_599 : vector<16xi32>
                %min3A_601 = arith.minsi %sort3A_578, %min3A_600 : vector<16xi32>
                %max3A_602 = arith.maxsi %sort3A_578, %min3A_600 : vector<16xi32>
                %sort3A_603 = arith.constant dense<true> : vector<16xi1>
                %sort3A_604, %sort3A_605, %sort3A_606 = tpu.sort %min3A_601, %min3A_601 masked %sort3A_603 : (vector<16xi32>, vector<16xi32>, vector<16xi1>) -> (vector<16xi1>, vector<16xi32>, vector<16xi32>)
                %sort3A_607 = arith.constant dense<true> : vector<16xi1>
                %sort3A_608, %sort3A_609, %sort3A_610 = tpu.sort %max3A_602, %max3A_602 masked %sort3A_607 : (vector<16xi32>, vector<16xi32>, vector<16xi1>) -> (vector<16xi1>, vector<16xi32>, vector<16xi32>)
                %swap3A_611 = arith.constant 0 : index
                %swap3A_612 = tpu.vector_load %arg21[%swap3A_611] {strides = array<i32>} : memref<112xi32, #tpu.memory_space<vmem>>, vector<16xi32>,
                tpu.vector_store %arg21[%swap3A_611], %sort3A_605 {strides = array<i32>} : memref<112xi32, #tpu.memory_space<vmem>>, vector<16xi32>,
                %swap3A_613 = arith.constant 16 : index
                %swap3A_614 = tpu.vector_load %arg21[%swap3A_613] {strides = array<i32>} : memref<112xi32, #tpu.memory_space<vmem>>, vector<16xi32>,
                tpu.vector_store %arg21[%swap3A_613], %sort3A_609 {strides = array<i32>} : memref<112xi32, #tpu.memory_space<vmem>>, vector<16xi32>,
                %min3A_615 = arith.constant 32 : i32
                %min3A_616 = arith.minsi %while3A_406, %min3A_615 : i32
                scf.yield %min3A_616 : i32
              } else {
                scf.yield %while3A_406 : i32
              }
              %swap3A_449 = arith.index_cast %cond3A_448 : i32 to index
              %swap3A_450 = tpu.vector_load %arg21[%swap3A_449] masked %and3A_434 {strides = array<i32>} : memref<112xi32, #tpu.memory_space<vmem>>, vector<16xi32>, vector<16xi1>
              tpu.vector_store %arg21[%swap3A_449], %get3A_420 masked %and3A_434 {strides = array<i32>} : memref<112xi32, #tpu.memory_space<vmem>>, vector<16xi32>, vector<16xi1>
              %add3A_451 = arith.addi %cond3A_448, %reduce_sum3A_442 : i32
              scf.yield %add3A_451 : i32
            }
            %while3A_403 = arith.constant 1 : i32
            %while3A_404 = scf.for %while3A_405 = %while3A_400 to %while3A_396 step %while3A_403 iter_args(%while3A_406 = %while3A_402) -> (i32)  : i32 {
              %mul3A_407 = arith.constant 16 : i32
              %mul3A_408 = arith.muli %while3A_405, %mul3A_407 : i32
              %add3A_409 = arith.addi %squeeze3A_376, %mul3A_408 : i32
              %sub3A_410 = arith.subi %squeeze3A_382, %add3A_409 : i32
              %lt3A_411 = vector.broadcast %sub3A_410 : i32 to vector<16xi32>
              %lt3A_412 = arith.cmpi slt, %iota3A, %lt3A_411 : vector<16xi32>
              %get3A_413 = arith.index_cast %add3A_409 : i32 to index
              %get3A_414 = tpu.vector_load %arg13[%get3A_413] {strides = array<i32>} : memref<16432xf32, #tpu.memory_space<vmem>>, vector<16xf32>,
              %get3A_415 = arith.index_cast %add3A_409 : i32 to index
              %get3A_416 = tpu.vector_load %arg14[%get3A_415] {strides = array<i32>} : memref<16432xf32, #tpu.memory_space<vmem>>, vector<16xf32>,
              %get3A_417 = arith.index_cast %add3A_409 : i32 to index
              %get3A_418 = tpu.vector_load %arg15[%get3A_417] {strides = array<i32>} : memref<16432xf32, #tpu.memory_space<vmem>>, vector<16xf32>,
              %get3A_419 = arith.index_cast %add3A_409 : i32 to index
              %get3A_420 = tpu.vector_load %arg16[%get3A_419] {strides = array<i32>} : memref<16432xi32, #tpu.memory_space<vmem>>, vector<16xi32>,
              %sub3A_421 = vector.broadcast %squeeze3A : f32 to vector<16xf32>
              %sub3A_422 = arith.subf %get3A_414, %sub3A_421 : vector<16xf32>
              %sub3A_423 = vector.broadcast %squeeze3A_32 : f32 to vector<16xf32>
              %sub3A_424 = arith.subf %get3A_416, %sub3A_423 : vector<16xf32>
              %sub3A_425 = vector.broadcast %squeeze3A_36 : f32 to vector<16xf32>
              %sub3A_426 = arith.subf %get3A_418, %sub3A_425 : vector<16xf32>
              %mul3A_427 = arith.mulf %sub3A_422, %sub3A_422 : vector<16xf32>
              %mul3A_428 = arith.mulf %sub3A_424, %sub3A_424 : vector<16xf32>
              %add3A_429 = arith.addf %mul3A_427, %mul3A_428 : vector<16xf32>
              %mul3A_430 = arith.mulf %sub3A_426, %sub3A_426 : vector<16xf32>
              %add3A_431 = arith.addf %add3A_429, %mul3A_430 : vector<16xf32>
              %le3A = arith.constant 0.00999999977 : f32
              %le3A_432 = vector.broadcast %le3A : f32 to vector<16xf32>
              %le3A_433 = arith.cmpf ole, %add3A_431, %le3A_432 : vector<16xf32>
              %and3A_434 = arith.andi %le3A_433, %lt3A_412 : vector<16xi1>
              %jit3A_435 = arith.constant 1 : i32
              %jit3A_436 = arith.constant 0 : i32
              %broadcast_in_dim3A_437 = vector.broadcast %jit3A_435 : i32 to vector<16xi32>
              %broadcast_in_dim3A_438 = vector.broadcast %jit3A_436 : i32 to vector<16xi32>
              %select_n3A_439 = arith.select %and3A_434, %broadcast_in_dim3A_437, %broadcast_in_dim3A_438 : vector<16xi1>, vector<16xi32>
              %reduce_sum3A = arith.constant true
              %reduce_sum3A_440 = vector.broadcast %reduce_sum3A : i1 to vector<16xi1>
              %reduce_sum3A_441 = tpu.scan <sum>, %select_n3A_439 masked %reduce_sum3A_440 : vector<16xi32>, vector<16xi1> -> vector<16xi32>
              %reduce_sum3A_442 = vector.extract %reduce_sum3A_441[15] : i32 from vector<16xi32>
              %gt3A_443 = arith.constant 80 : i32
              %gt3A_444 = arith.cmpi sgt, %while3A_406, %gt3A_443 : i32
              %convert_element_type3A_445 = arith.extui %gt3A_444 : i1 to i32
              %cond3A_446 = arith.constant 0 : i32
              %cond3A_447 = arith.cmpi ne, %convert_element_type3A_445, %cond3A_446 : i32
              %cond3A_448 = scf.if %cond3A_447 -> (i32) {
                %get3A_452 = arith.constant 0 : index
                %get3A_453 = tpu.vector_load %arg21[%get3A_452] {strides = array<i32>} : memref<112xi32, #tpu.memory_space<vmem>>, vector<16xi32>,
                %sub3A_454 = arith.constant 0 : i32
                %sub3A_455 = arith.subi %while3A_406, %sub3A_454 : i32
                %lt3A_456 = vector.broadcast %sub3A_455 : i32 to vector<16xi32>
                %lt3A_457 = arith.cmpi slt, %iota3A, %lt3A_456 : vector<16xi32>
                %select_n3A_458 = arith.select %lt3A_457, %get3A_453, %broadcast_in_dim3A_3 : vector<16xi1>, vector<16xi32>
                %sort3A = arith.constant dense<true> : vector<16xi1>
                %sort3A_459, %sort3A_460, %sort3A_461 = tpu.sort %select_n3A_458, %select_n3A_458 masked %sort3A : (vector<16xi32>, vector<16xi32>, vector<16xi1>) -> (vector<16xi1>, vector<16xi32>, vector<16xi32>)
                %rev3A = arith.constant 15 : i32
                %rev3A_462 = vector.broadcast %rev3A : i32 to vector<16xi32>
                %rev3A_463 = tpu.iota {dimensions = array<i32: 0>} : vector<16xi32>
                %rev3A_464 = arith.subi %rev3A_462, %rev3A_463 : vector<16xi32>
                %rev3A_465 = tpu.dynamic_gather %sort3A_460[%rev3A_464] in [0] : vector<16xi32>, vector<16xi32> -> vector<16xi32>
                %min3A_466 = arith.minsi %broadcast_in_dim3A_3, %rev3A_465 : vector<16xi32>
                %min3A_467 = arith.minsi %broadcast_in_dim3A_3, %min3A_466 : vector<16xi32>
                %max3A = arith.maxsi %broadcast_in_dim3A_3, %min3A_466 : vector<16xi32>
                %sort3A_468 = arith.constant dense<true> : vector<16xi1>
                %sort3A_469, %sort3A_470, %sort3A_471 = tpu.sort %min3A_467, %min3A_467 masked %sort3A_468 : (vector<16xi32>, vector<16xi32>, vector<16xi1>) -> (vector<16xi1>, vector<16xi32>, vector<16xi32>)
                %sort3A_472 = arith.constant dense<true> : vector<16xi1>
                %sort3A_473, %sort3A_474, %sort3A_475 = tpu.sort %max3A, %max3A masked %sort3A_472 : (vector<16xi32>, vector<16xi32>, vector<16xi1>) -> (vector<16xi1>, vector<16xi32>, vector<16xi32>)
                %get3A_476 = arith.constant 16 : index
                %get3A_477 = tpu.vector_load %arg21[%get3A_476] {strides = array<i32>} : memref<112xi32, #tpu.memory_space<vmem>>, vector<16xi32>,
                %sub3A_478 = arith.constant 16 : i32
                %sub3A_479 = arith.subi %while3A_406, %sub3A_478 : i32
                %lt3A_480 = vector.broadcast %sub3A_479 : i32 to vector<16xi32>
                %lt3A_481 = arith.cmpi slt, %iota3A, %lt3A_480 : vector<16xi32>
                %select_n3A_482 = arith.select %lt3A_481, %get3A_477, %broadcast_in_dim3A_3 : vector<16xi1>, vector<16xi32>
                %sort3A_483 = arith.constant dense<true> : vector<16xi1>
                %sort3A_484, %sort3A_485, %sort3A_486 = tpu.sort %select_n3A_482, %select_n3A_482 masked %sort3A_483 : (vector<16xi32>, vector<16xi32>, vector<16xi1>) -> (vector<16xi1>, vector<16xi32>, vector<16xi32>)
                %rev3A_487 = arith.constant 15 : i32
                %rev3A_488 = vector.broadcast %rev3A_487 : i32 to vector<16xi32>
                %rev3A_489 = tpu.iota {dimensions = array<i32: 0>} : vector<16xi32>
                %rev3A_490 = arith.subi %rev3A_488, %rev3A_489 : vector<16xi32>
                %rev3A_491 = tpu.dynamic_gather %sort3A_485[%rev3A_490] in [0] : vector<16xi32>, vector<16xi32> -> vector<16xi32>
                %min3A_492 = arith.minsi %sort3A_474, %rev3A_491 : vector<16xi32>
                %min3A_493 = arith.minsi %sort3A_470, %min3A_492 : vector<16xi32>
                %max3A_494 = arith.maxsi %sort3A_470, %min3A_492 : vector<16xi32>
                %sort3A_495 = arith.constant dense<true> : vector<16xi1>
                %sort3A_496, %sort3A_497, %sort3A_498 = tpu.sort %min3A_493, %min3A_493 masked %sort3A_495 : (vector<16xi32>, vector<16xi32>, vector<16xi1>) -> (vector<16xi1>, vector<16xi32>, vector<16xi32>)
                %sort3A_499 = arith.constant dense<true> : vector<16xi1>
                %sort3A_500, %sort3A_501, %sort3A_502 = tpu.sort %max3A_494, %max3A_494 masked %sort3A_499 : (vector<16xi32>, vector<16xi32>, vector<16xi1>) -> (vector<16xi1>, vector<16xi32>, vector<16xi32>)
                %get3A_503 = arith.constant 32 : index
                %get3A_504 = tpu.vector_load %arg21[%get3A_503] {strides = array<i32>} : memref<112xi32, #tpu.memory_space<vmem>>, vector<16xi32>,
                %sub3A_505 = arith.constant 32 : i32
                %sub3A_506 = arith.subi %while3A_406, %sub3A_505 : i32
                %lt3A_507 = vector.broadcast %sub3A_506 : i32 to vector<16xi32>
                %lt3A_508 = arith.cmpi slt, %iota3A, %lt3A_507 : vector<16xi32>
                %select_n3A_509 = arith.select %lt3A_508, %get3A_504, %broadcast_in_dim3A_3 : vector<16xi1>, vector<16xi32>
                %sort3A_510 = arith.constant dense<true> : vector<16xi1>
                %sort3A_511, %sort3A_512, %sort3A_513 = tpu.sort %select_n3A_509, %select_n3A_509 masked %sort3A_510 : (vector<16xi32>, vector<16xi32>, vector<16xi1>) -> (vector<16xi1>, vector<16xi32>, vector<16xi32>)
                %rev3A_514 = arith.constant 15 : i32
                %rev3A_515 = vector.broadcast %rev3A_514 : i32 to vector<16xi32>
                %rev3A_516 = tpu.iota {dimensions = array<i32: 0>} : vector<16xi32>
                %rev3A_517 = arith.subi %rev3A_515, %rev3A_516 : vector<16xi32>
                %rev3A_518 = tpu.dynamic_gather %sort3A_512[%rev3A_517] in [0] : vector<16xi32>, vector<16xi32> -> vector<16xi32>
                %min3A_519 = arith.minsi %sort3A_501, %rev3A_518 : vector<16xi32>
                %min3A_520 = arith.minsi %sort3A_497, %min3A_519 : vector<16xi32>
                %max3A_521 = arith.maxsi %sort3A_497, %min3A_519 : vector<16xi32>
                %sort3A_522 = arith.constant dense<true> : vector<16xi1>
                %sort3A_523, %sort3A_524, %sort3A_525 = tpu.sort %min3A_520, %min3A_520 masked %sort3A_522 : (vector<16xi32>, vector<16xi32>, vector<16xi1>) -> (vector<16xi1>, vector<16xi32>, vector<16xi32>)
                %sort3A_526 = arith.constant dense<true> : vector<16xi1>
                %sort3A_527, %sort3A_528, %sort3A_529 = tpu.sort %max3A_521, %max3A_521 masked %sort3A_526 : (vector<16xi32>, vector<16xi32>, vector<16xi1>) -> (vector<16xi1>, vector<16xi32>, vector<16xi32>)
                %get3A_530 = arith.constant 48 : index
                %get3A_531 = tpu.vector_load %arg21[%get3A_530] {strides = array<i32>} : memref<112xi32, #tpu.memory_space<vmem>>, vector<16xi32>,
                %sub3A_532 = arith.constant 48 : i32
                %sub3A_533 = arith.subi %while3A_406, %sub3A_532 : i32
                %lt3A_534 = vector.broadcast %sub3A_533 : i32 to vector<16xi32>
                %lt3A_535 = arith.cmpi slt, %iota3A, %lt3A_534 : vector<16xi32>
                %select_n3A_536 = arith.select %lt3A_535, %get3A_531, %broadcast_in_dim3A_3 : vector<16xi1>, vector<16xi32>
                %sort3A_537 = arith.constant dense<true> : vector<16xi1>
                %sort3A_538, %sort3A_539, %sort3A_540 = tpu.sort %select_n3A_536, %select_n3A_536 masked %sort3A_537 : (vector<16xi32>, vector<16xi32>, vector<16xi1>) -> (vector<16xi1>, vector<16xi32>, vector<16xi32>)
                %rev3A_541 = arith.constant 15 : i32
                %rev3A_542 = vector.broadcast %rev3A_541 : i32 to vector<16xi32>
                %rev3A_543 = tpu.iota {dimensions = array<i32: 0>} : vector<16xi32>
                %rev3A_544 = arith.subi %rev3A_542, %rev3A_543 : vector<16xi32>
                %rev3A_545 = tpu.dynamic_gather %sort3A_539[%rev3A_544] in [0] : vector<16xi32>, vector<16xi32> -> vector<16xi32>
                %min3A_546 = arith.minsi %sort3A_528, %rev3A_545 : vector<16xi32>
                %min3A_547 = arith.minsi %sort3A_524, %min3A_546 : vector<16xi32>
                %max3A_548 = arith.maxsi %sort3A_524, %min3A_546 : vector<16xi32>
                %sort3A_549 = arith.constant dense<true> : vector<16xi1>
                %sort3A_550, %sort3A_551, %sort3A_552 = tpu.sort %min3A_547, %min3A_547 masked %sort3A_549 : (vector<16xi32>, vector<16xi32>, vector<16xi1>) -> (vector<16xi1>, vector<16xi32>, vector<16xi32>)
                %sort3A_553 = arith.constant dense<true> : vector<16xi1>
                %sort3A_554, %sort3A_555, %sort3A_556 = tpu.sort %max3A_548, %max3A_548 masked %sort3A_553 : (vector<16xi32>, vector<16xi32>, vector<16xi1>) -> (vector<16xi1>, vector<16xi32>, vector<16xi32>)
                %get3A_557 = arith.constant 64 : index
                %get3A_558 = tpu.vector_load %arg21[%get3A_557] {strides = array<i32>} : memref<112xi32, #tpu.memory_space<vmem>>, vector<16xi32>,
                %sub3A_559 = arith.constant 64 : i32
                %sub3A_560 = arith.subi %while3A_406, %sub3A_559 : i32
                %lt3A_561 = vector.broadcast %sub3A_560 : i32 to vector<16xi32>
                %lt3A_562 = arith.cmpi slt, %iota3A, %lt3A_561 : vector<16xi32>
                %select_n3A_563 = arith.select %lt3A_562, %get3A_558, %broadcast_in_dim3A_3 : vector<16xi1>, vector<16xi32>
                %sort3A_564 = arith.constant dense<true> : vector<16xi1>
                %sort3A_565, %sort3A_566, %sort3A_567 = tpu.sort %select_n3A_563, %select_n3A_563 masked %sort3A_564 : (vector<16xi32>, vector<16xi32>, vector<16xi1>) -> (vector<16xi1>, vector<16xi32>, vector<16xi32>)
                %rev3A_568 = arith.constant 15 : i32
                %rev3A_569 = vector.broadcast %rev3A_568 : i32 to vector<16xi32>
                %rev3A_570 = tpu.iota {dimensions = array<i32: 0>} : vector<16xi32>
                %rev3A_571 = arith.subi %rev3A_569, %rev3A_570 : vector<16xi32>
                %rev3A_572 = tpu.dynamic_gather %sort3A_566[%rev3A_571] in [0] : vector<16xi32>, vector<16xi32> -> vector<16xi32>
                %min3A_573 = arith.minsi %sort3A_555, %rev3A_572 : vector<16xi32>
                %min3A_574 = arith.minsi %sort3A_551, %min3A_573 : vector<16xi32>
                %max3A_575 = arith.maxsi %sort3A_551, %min3A_573 : vector<16xi32>
                %sort3A_576 = arith.constant dense<true> : vector<16xi1>
                %sort3A_577, %sort3A_578, %sort3A_579 = tpu.sort %min3A_574, %min3A_574 masked %sort3A_576 : (vector<16xi32>, vector<16xi32>, vector<16xi1>) -> (vector<16xi1>, vector<16xi32>, vector<16xi32>)
                %sort3A_580 = arith.constant dense<true> : vector<16xi1>
                %sort3A_581, %sort3A_582, %sort3A_583 = tpu.sort %max3A_575, %max3A_575 masked %sort3A_580 : (vector<16xi32>, vector<16xi32>, vector<16xi1>) -> (vector<16xi1>, vector<16xi32>, vector<16xi32>)
                %get3A_584 = arith.constant 80 : index
                %get3A_585 = tpu.vector_load %arg21[%get3A_584] {strides = array<i32>} : memref<112xi32, #tpu.memory_space<vmem>>, vector<16xi32>,
                %sub3A_586 = arith.constant 80 : i32
                %sub3A_587 = arith.subi %while3A_406, %sub3A_586 : i32
                %lt3A_588 = vector.broadcast %sub3A_587 : i32 to vector<16xi32>
                %lt3A_589 = arith.cmpi slt, %iota3A, %lt3A_588 : vector<16xi32>
                %select_n3A_590 = arith.select %lt3A_589, %get3A_585, %broadcast_in_dim3A_3 : vector<16xi1>, vector<16xi32>
                %sort3A_591 = arith.constant dense<true> : vector<16xi1>
                %sort3A_592, %sort3A_593, %sort3A_594 = tpu.sort %select_n3A_590, %select_n3A_590 masked %sort3A_591 : (vector<16xi32>, vector<16xi32>, vector<16xi1>) -> (vector<16xi1>, vector<16xi32>, vector<16xi32>)
                %rev3A_595 = arith.constant 15 : i32
                %rev3A_596 = vector.broadcast %rev3A_595 : i32 to vector<16xi32>
                %rev3A_597 = tpu.iota {dimensions = array<i32: 0>} : vector<16xi32>
                %rev3A_598 = arith.subi %rev3A_596, %rev3A_597 : vector<16xi32>
                %rev3A_599 = tpu.dynamic_gather %sort3A_593[%rev3A_598] in [0] : vector<16xi32>, vector<16xi32> -> vector<16xi32>
                %min3A_600 = arith.minsi %sort3A_582, %rev3A_599 : vector<16xi32>
                %min3A_601 = arith.minsi %sort3A_578, %min3A_600 : vector<16xi32>
                %max3A_602 = arith.maxsi %sort3A_578, %min3A_600 : vector<16xi32>
                %sort3A_603 = arith.constant dense<true> : vector<16xi1>
                %sort3A_604, %sort3A_605, %sort3A_606 = tpu.sort %min3A_601, %min3A_601 masked %sort3A_603 : (vector<16xi32>, vector<16xi32>, vector<16xi1>) -> (vector<16xi1>, vector<16xi32>, vector<16xi32>)
                %sort3A_607 = arith.constant dense<true> : vector<16xi1>
                %sort3A_608, %sort3A_609, %sort3A_610 = tpu.sort %max3A_602, %max3A_602 masked %sort3A_607 : (vector<16xi32>, vector<16xi32>, vector<16xi1>) -> (vector<16xi1>, vector<16xi32>, vector<16xi32>)
                %swap3A_611 = arith.constant 0 : index
                %swap3A_612 = tpu.vector_load %arg21[%swap3A_611] {strides = array<i32>} : memref<112xi32, #tpu.memory_space<vmem>>, vector<16xi32>,
                tpu.vector_store %arg21[%swap3A_611], %sort3A_605 {strides = array<i32>} : memref<112xi32, #tpu.memory_space<vmem>>, vector<16xi32>,
                %swap3A_613 = arith.constant 16 : index
                %swap3A_614 = tpu.vector_load %arg21[%swap3A_613] {strides = array<i32>} : memref<112xi32, #tpu.memory_space<vmem>>, vector<16xi32>,
                tpu.vector_store %arg21[%swap3A_613], %sort3A_609 {strides = array<i32>} : memref<112xi32, #tpu.memory_space<vmem>>, vector<16xi32>,
                %min3A_615 = arith.constant 32 : i32
                %min3A_616 = arith.minsi %while3A_406, %min3A_615 : i32
                scf.yield %min3A_616 : i32
              } else {
                scf.yield %while3A_406 : i32
              }
              %swap3A_449 = arith.index_cast %cond3A_448 : i32 to index
              %swap3A_450 = tpu.vector_load %arg21[%swap3A_449] masked %and3A_434 {strides = array<i32>} : memref<112xi32, #tpu.memory_space<vmem>>, vector<16xi32>, vector<16xi1>
              tpu.vector_store %arg21[%swap3A_449], %get3A_420 masked %and3A_434 {strides = array<i32>} : memref<112xi32, #tpu.memory_space<vmem>>, vector<16xi32>, vector<16xi1>
              %add3A_451 = arith.addi %cond3A_448, %reduce_sum3A_442 : i32
              scf.yield %add3A_451 : i32
            }
            scf.yield %while3A_404 : i32
          } else {
            %add3A_391 = arith.constant 31 : i32
            %add3A_392 = arith.addi %sub3A_383, %add3A_391 : i32
            %shift_right_arithmetic3A_393 = arith.constant 5 : i32
            %shift_right_arithmetic3A_394 = arith.shrsi %add3A_392, %shift_right_arithmetic3A_393 : i32
            %while3A = arith.constant 0 : i32
            %while3A_395 = arith.subi %shift_right_arithmetic3A_394, %while3A : i32
            %while3A_396 = arith.addi %while3A, %while3A_395 : i32
            %while3A_397 = arith.constant 1 : i32
            %while3A_398 = arith.divsi %while3A_395, %while3A_397 : i32
            %while3A_399 = arith.muli %while3A_398, %while3A_397 : i32
            %while3A_400 = arith.addi %while3A, %while3A_399 : i32
            %while3A_401 = arith.constant 1 : i32
            %while3A_402 = scf.for %while3A_405 = %while3A to %while3A_400 step %while3A_401 iter_args(%while3A_406 = %scan3A_372) -> (i32)  : i32 {
              %mul3A_407 = arith.constant 32 : i32
              %mul3A_408 = arith.muli %while3A_405, %mul3A_407 : i32
              %add3A_409 = arith.addi %squeeze3A_376, %mul3A_408 : i32
              %sub3A_410 = arith.subi %squeeze3A_382, %add3A_409 : i32
              %lt3A_411 = vector.broadcast %sub3A_410 : i32 to vector<16xi32>
              %lt3A_412 = arith.cmpi slt, %iota3A, %lt3A_411 : vector<16xi32>
              %get3A_413 = arith.index_cast %add3A_409 : i32 to index
              %get3A_414 = tpu.vector_load %arg13[%get3A_413] {strides = array<i32>} : memref<16432xf32, #tpu.memory_space<vmem>>, vector<16xf32>,
              %get3A_415 = arith.index_cast %add3A_409 : i32 to index
              %get3A_416 = tpu.vector_load %arg14[%get3A_415] {strides = array<i32>} : memref<16432xf32, #tpu.memory_space<vmem>>, vector<16xf32>,
              %get3A_417 = arith.index_cast %add3A_409 : i32 to index
              %get3A_418 = tpu.vector_load %arg15[%get3A_417] {strides = array<i32>} : memref<16432xf32, #tpu.memory_space<vmem>>, vector<16xf32>,
              %get3A_419 = arith.index_cast %add3A_409 : i32 to index
              %get3A_420 = tpu.vector_load %arg16[%get3A_419] {strides = array<i32>} : memref<16432xi32, #tpu.memory_space<vmem>>, vector<16xi32>,
              %sub3A_421 = vector.broadcast %squeeze3A : f32 to vector<16xf32>
              %sub3A_422 = arith.subf %get3A_414, %sub3A_421 : vector<16xf32>
              %sub3A_423 = vector.broadcast %squeeze3A_32 : f32 to vector<16xf32>
              %sub3A_424 = arith.subf %get3A_416, %sub3A_423 : vector<16xf32>
              %sub3A_425 = vector.broadcast %squeeze3A_36 : f32 to vector<16xf32>
              %sub3A_426 = arith.subf %get3A_418, %sub3A_425 : vector<16xf32>
              %mul3A_427 = arith.mulf %sub3A_422, %sub3A_422 : vector<16xf32>
              %mul3A_428 = arith.mulf %sub3A_424, %sub3A_424 : vector<16xf32>
              %add3A_429 = arith.addf %mul3A_427, %mul3A_428 : vector<16xf32>
              %mul3A_430 = arith.mulf %sub3A_426, %sub3A_426 : vector<16xf32>
              %add3A_431 = arith.addf %add3A_429, %mul3A_430 : vector<16xf32>
              %le3A = arith.constant 0.00999999977 : f32
              %le3A_432 = vector.broadcast %le3A : f32 to vector<16xf32>
              %le3A_433 = arith.cmpf ole, %add3A_431, %le3A_432 : vector<16xf32>
              %and3A_434 = arith.andi %le3A_433, %lt3A_412 : vector<16xi1>
              %jit3A_435 = arith.constant 1 : i32
              %jit3A_436 = arith.constant 0 : i32
              %broadcast_in_dim3A_437 = vector.broadcast %jit3A_435 : i32 to vector<16xi32>
              %broadcast_in_dim3A_438 = vector.broadcast %jit3A_436 : i32 to vector<16xi32>
              %select_n3A_439 = arith.select %and3A_434, %broadcast_in_dim3A_437, %broadcast_in_dim3A_438 : vector<16xi1>, vector<16xi32>
              %reduce_sum3A = arith.constant true
              %reduce_sum3A_440 = vector.broadcast %reduce_sum3A : i1 to vector<16xi1>
              %reduce_sum3A_441 = tpu.scan <sum>, %select_n3A_439 masked %reduce_sum3A_440 : vector<16xi32>, vector<16xi1> -> vector<16xi32>
              %reduce_sum3A_442 = vector.extract %reduce_sum3A_441[15] : i32 from vector<16xi32>
              %add3A_443 = arith.constant 16 : i32
              %add3A_444 = arith.addi %add3A_409, %add3A_443 : i32
              %sub3A_445 = arith.subi %squeeze3A_382, %add3A_444 : i32
              %lt3A_446 = vector.broadcast %sub3A_445 : i32 to vector<16xi32>
              %lt3A_447 = arith.cmpi slt, %iota3A, %lt3A_446 : vector<16xi32>
              %get3A_448 = arith.index_cast %add3A_444 : i32 to index
              %get3A_449 = tpu.vector_load %arg13[%get3A_448] {strides = array<i32>} : memref<16432xf32, #tpu.memory_space<vmem>>, vector<16xf32>,
              %get3A_450 = arith.index_cast %add3A_444 : i32 to index
              %get3A_451 = tpu.vector_load %arg14[%get3A_450] {strides = array<i32>} : memref<16432xf32, #tpu.memory_space<vmem>>, vector<16xf32>,
              %get3A_452 = arith.index_cast %add3A_444 : i32 to index
              %get3A_453 = tpu.vector_load %arg15[%get3A_452] {strides = array<i32>} : memref<16432xf32, #tpu.memory_space<vmem>>, vector<16xf32>,
              %get3A_454 = arith.index_cast %add3A_444 : i32 to index
              %get3A_455 = tpu.vector_load %arg16[%get3A_454] {strides = array<i32>} : memref<16432xi32, #tpu.memory_space<vmem>>, vector<16xi32>,
              %sub3A_456 = vector.broadcast %squeeze3A : f32 to vector<16xf32>
              %sub3A_457 = arith.subf %get3A_449, %sub3A_456 : vector<16xf32>
              %sub3A_458 = vector.broadcast %squeeze3A_32 : f32 to vector<16xf32>
              %sub3A_459 = arith.subf %get3A_451, %sub3A_458 : vector<16xf32>
              %sub3A_460 = vector.broadcast %squeeze3A_36 : f32 to vector<16xf32>
              %sub3A_461 = arith.subf %get3A_453, %sub3A_460 : vector<16xf32>
              %mul3A_462 = arith.mulf %sub3A_457, %sub3A_457 : vector<16xf32>
              %mul3A_463 = arith.mulf %sub3A_459, %sub3A_459 : vector<16xf32>
              %add3A_464 = arith.addf %mul3A_462, %mul3A_463 : vector<16xf32>
              %mul3A_465 = arith.mulf %sub3A_461, %sub3A_461 : vector<16xf32>
              %add3A_466 = arith.addf %add3A_464, %mul3A_465 : vector<16xf32>
              %le3A_467 = arith.constant 0.00999999977 : f32
              %le3A_468 = vector.broadcast %le3A_467 : f32 to vector<16xf32>
              %le3A_469 = arith.cmpf ole, %add3A_466, %le3A_468 : vector<16xf32>
              %and3A_470 = arith.andi %le3A_469, %lt3A_447 : vector<16xi1>
              %jit3A_471 = arith.constant 1 : i32
              %jit3A_472 = arith.constant 0 : i32
              %broadcast_in_dim3A_473 = vector.broadcast %jit3A_471 : i32 to vector<16xi32>
              %broadcast_in_dim3A_474 = vector.broadcast %jit3A_472 : i32 to vector<16xi32>
              %select_n3A_475 = arith.select %and3A_470, %broadcast_in_dim3A_473, %broadcast_in_dim3A_474 : vector<16xi1>, vector<16xi32>
              %reduce_sum3A_476 = arith.constant true
              %reduce_sum3A_477 = vector.broadcast %reduce_sum3A_476 : i1 to vector<16xi1>
              %reduce_sum3A_478 = tpu.scan <sum>, %select_n3A_475 masked %reduce_sum3A_477 : vector<16xi32>, vector<16xi1> -> vector<16xi32>
              %reduce_sum3A_479 = vector.extract %reduce_sum3A_478[15] : i32 from vector<16xi32>
              %swap3A_480 = arith.index_cast %while3A_406 : i32 to index
              %swap3A_481 = tpu.vector_load %arg21[%swap3A_480] masked %and3A_434 {strides = array<i32>} : memref<112xi32, #tpu.memory_space<vmem>>, vector<16xi32>, vector<16xi1>
              tpu.vector_store %arg21[%swap3A_480], %get3A_420 masked %and3A_434 {strides = array<i32>} : memref<112xi32, #tpu.memory_space<vmem>>, vector<16xi32>, vector<16xi1>
              %add3A_482 = arith.addi %while3A_406, %reduce_sum3A_442 : i32
              %swap3A_483 = arith.index_cast %add3A_482 : i32 to index
              %swap3A_484 = tpu.vector_load %arg21[%swap3A_483] masked %and3A_470 {strides = array<i32>} : memref<112xi32, #tpu.memory_space<vmem>>, vector<16xi32>, vector<16xi1>
              tpu.vector_store %arg21[%swap3A_483], %get3A_455 masked %and3A_470 {strides = array<i32>} : memref<112xi32, #tpu.memory_space<vmem>>, vector<16xi32>, vector<16xi1>
              %add3A_485 = arith.addi %add3A_482, %reduce_sum3A_479 : i32
              scf.yield %add3A_485 : i32
            }
            %while3A_403 = arith.constant 1 : i32
            %while3A_404 = scf.for %while3A_405 = %while3A_400 to %while3A_396 step %while3A_403 iter_args(%while3A_406 = %while3A_402) -> (i32)  : i32 {
              %mul3A_407 = arith.constant 32 : i32
              %mul3A_408 = arith.muli %while3A_405, %mul3A_407 : i32
              %add3A_409 = arith.addi %squeeze3A_376, %mul3A_408 : i32
              %sub3A_410 = arith.subi %squeeze3A_382, %add3A_409 : i32
              %lt3A_411 = vector.broadcast %sub3A_410 : i32 to vector<16xi32>
              %lt3A_412 = arith.cmpi slt, %iota3A, %lt3A_411 : vector<16xi32>
              %get3A_413 = arith.index_cast %add3A_409 : i32 to index
              %get3A_414 = tpu.vector_load %arg13[%get3A_413] {strides = array<i32>} : memref<16432xf32, #tpu.memory_space<vmem>>, vector<16xf32>,
              %get3A_415 = arith.index_cast %add3A_409 : i32 to index
              %get3A_416 = tpu.vector_load %arg14[%get3A_415] {strides = array<i32>} : memref<16432xf32, #tpu.memory_space<vmem>>, vector<16xf32>,
              %get3A_417 = arith.index_cast %add3A_409 : i32 to index
              %get3A_418 = tpu.vector_load %arg15[%get3A_417] {strides = array<i32>} : memref<16432xf32, #tpu.memory_space<vmem>>, vector<16xf32>,
              %get3A_419 = arith.index_cast %add3A_409 : i32 to index
              %get3A_420 = tpu.vector_load %arg16[%get3A_419] {strides = array<i32>} : memref<16432xi32, #tpu.memory_space<vmem>>, vector<16xi32>,
              %sub3A_421 = vector.broadcast %squeeze3A : f32 to vector<16xf32>
              %sub3A_422 = arith.subf %get3A_414, %sub3A_421 : vector<16xf32>
              %sub3A_423 = vector.broadcast %squeeze3A_32 : f32 to vector<16xf32>
              %sub3A_424 = arith.subf %get3A_416, %sub3A_423 : vector<16xf32>
              %sub3A_425 = vector.broadcast %squeeze3A_36 : f32 to vector<16xf32>
              %sub3A_426 = arith.subf %get3A_418, %sub3A_425 : vector<16xf32>
              %mul3A_427 = arith.mulf %sub3A_422, %sub3A_422 : vector<16xf32>
              %mul3A_428 = arith.mulf %sub3A_424, %sub3A_424 : vector<16xf32>
              %add3A_429 = arith.addf %mul3A_427, %mul3A_428 : vector<16xf32>
              %mul3A_430 = arith.mulf %sub3A_426, %sub3A_426 : vector<16xf32>
              %add3A_431 = arith.addf %add3A_429, %mul3A_430 : vector<16xf32>
              %le3A = arith.constant 0.00999999977 : f32
              %le3A_432 = vector.broadcast %le3A : f32 to vector<16xf32>
              %le3A_433 = arith.cmpf ole, %add3A_431, %le3A_432 : vector<16xf32>
              %and3A_434 = arith.andi %le3A_433, %lt3A_412 : vector<16xi1>
              %jit3A_435 = arith.constant 1 : i32
              %jit3A_436 = arith.constant 0 : i32
              %broadcast_in_dim3A_437 = vector.broadcast %jit3A_435 : i32 to vector<16xi32>
              %broadcast_in_dim3A_438 = vector.broadcast %jit3A_436 : i32 to vector<16xi32>
              %select_n3A_439 = arith.select %and3A_434, %broadcast_in_dim3A_437, %broadcast_in_dim3A_438 : vector<16xi1>, vector<16xi32>
              %reduce_sum3A = arith.constant true
              %reduce_sum3A_440 = vector.broadcast %reduce_sum3A : i1 to vector<16xi1>
              %reduce_sum3A_441 = tpu.scan <sum>, %select_n3A_439 masked %reduce_sum3A_440 : vector<16xi32>, vector<16xi1> -> vector<16xi32>
              %reduce_sum3A_442 = vector.extract %reduce_sum3A_441[15] : i32 from vector<16xi32>
              %add3A_443 = arith.constant 16 : i32
              %add3A_444 = arith.addi %add3A_409, %add3A_443 : i32
              %sub3A_445 = arith.subi %squeeze3A_382, %add3A_444 : i32
              %lt3A_446 = vector.broadcast %sub3A_445 : i32 to vector<16xi32>
              %lt3A_447 = arith.cmpi slt, %iota3A, %lt3A_446 : vector<16xi32>
              %get3A_448 = arith.index_cast %add3A_444 : i32 to index
              %get3A_449 = tpu.vector_load %arg13[%get3A_448] {strides = array<i32>} : memref<16432xf32, #tpu.memory_space<vmem>>, vector<16xf32>,
              %get3A_450 = arith.index_cast %add3A_444 : i32 to index
              %get3A_451 = tpu.vector_load %arg14[%get3A_450] {strides = array<i32>} : memref<16432xf32, #tpu.memory_space<vmem>>, vector<16xf32>,
              %get3A_452 = arith.index_cast %add3A_444 : i32 to index
              %get3A_453 = tpu.vector_load %arg15[%get3A_452] {strides = array<i32>} : memref<16432xf32, #tpu.memory_space<vmem>>, vector<16xf32>,
              %get3A_454 = arith.index_cast %add3A_444 : i32 to index
              %get3A_455 = tpu.vector_load %arg16[%get3A_454] {strides = array<i32>} : memref<16432xi32, #tpu.memory_space<vmem>>, vector<16xi32>,
              %sub3A_456 = vector.broadcast %squeeze3A : f32 to vector<16xf32>
              %sub3A_457 = arith.subf %get3A_449, %sub3A_456 : vector<16xf32>
              %sub3A_458 = vector.broadcast %squeeze3A_32 : f32 to vector<16xf32>
              %sub3A_459 = arith.subf %get3A_451, %sub3A_458 : vector<16xf32>
              %sub3A_460 = vector.broadcast %squeeze3A_36 : f32 to vector<16xf32>
              %sub3A_461 = arith.subf %get3A_453, %sub3A_460 : vector<16xf32>
              %mul3A_462 = arith.mulf %sub3A_457, %sub3A_457 : vector<16xf32>
              %mul3A_463 = arith.mulf %sub3A_459, %sub3A_459 : vector<16xf32>
              %add3A_464 = arith.addf %mul3A_462, %mul3A_463 : vector<16xf32>
              %mul3A_465 = arith.mulf %sub3A_461, %sub3A_461 : vector<16xf32>
              %add3A_466 = arith.addf %add3A_464, %mul3A_465 : vector<16xf32>
              %le3A_467 = arith.constant 0.00999999977 : f32
              %le3A_468 = vector.broadcast %le3A_467 : f32 to vector<16xf32>
              %le3A_469 = arith.cmpf ole, %add3A_466, %le3A_468 : vector<16xf32>
              %and3A_470 = arith.andi %le3A_469, %lt3A_447 : vector<16xi1>
              %jit3A_471 = arith.constant 1 : i32
              %jit3A_472 = arith.constant 0 : i32
              %broadcast_in_dim3A_473 = vector.broadcast %jit3A_471 : i32 to vector<16xi32>
              %broadcast_in_dim3A_474 = vector.broadcast %jit3A_472 : i32 to vector<16xi32>
              %select_n3A_475 = arith.select %and3A_470, %broadcast_in_dim3A_473, %broadcast_in_dim3A_474 : vector<16xi1>, vector<16xi32>
              %reduce_sum3A_476 = arith.constant true
              %reduce_sum3A_477 = vector.broadcast %reduce_sum3A_476 : i1 to vector<16xi1>
              %reduce_sum3A_478 = tpu.scan <sum>, %select_n3A_475 masked %reduce_sum3A_477 : vector<16xi32>, vector<16xi1> -> vector<16xi32>
              %reduce_sum3A_479 = vector.extract %reduce_sum3A_478[15] : i32 from vector<16xi32>
              %swap3A_480 = arith.index_cast %while3A_406 : i32 to index
              %swap3A_481 = tpu.vector_load %arg21[%swap3A_480] masked %and3A_434 {strides = array<i32>} : memref<112xi32, #tpu.memory_space<vmem>>, vector<16xi32>, vector<16xi1>
              tpu.vector_store %arg21[%swap3A_480], %get3A_420 masked %and3A_434 {strides = array<i32>} : memref<112xi32, #tpu.memory_space<vmem>>, vector<16xi32>, vector<16xi1>
              %add3A_482 = arith.addi %while3A_406, %reduce_sum3A_442 : i32
              %swap3A_483 = arith.index_cast %add3A_482 : i32 to index
              %swap3A_484 = tpu.vector_load %arg21[%swap3A_483] masked %and3A_470 {strides = array<i32>} : memref<112xi32, #tpu.memory_space<vmem>>, vector<16xi32>, vector<16xi1>
              tpu.vector_store %arg21[%swap3A_483], %get3A_455 masked %and3A_470 {strides = array<i32>} : memref<112xi32, #tpu.memory_space<vmem>>, vector<16xi32>, vector<16xi1>
              %add3A_485 = arith.addi %add3A_482, %reduce_sum3A_479 : i32
              scf.yield %add3A_485 : i32
            }
            scf.yield %while3A_404 : i32
          }
          scf.yield %cond3A_390 : i32
        }
        %scan3A_234 = arith.constant 9 : i32
        %gt3A_235 = arith.constant 0 : i32
        %gt3A_236 = arith.cmpi sgt, %scan3A_233, %gt3A_235 : i32
        %convert_element_type3A_237 = arith.extui %gt3A_236 : i1 to i32
        %cond3A = arith.constant 0 : i32
        %cond3A_238 = arith.cmpi ne, %convert_element_type3A_237, %cond3A : i32
        %cond3A_239:2 = scf.if %cond3A_238 -> (vector<16xi32>, vector<16xi32>) {
          %get3A_371 = arith.constant 0 : index
          %get3A_372 = tpu.vector_load %arg21[%get3A_371] {strides = array<i32>} : memref<112xi32, #tpu.memory_space<vmem>>, vector<16xi32>,
          %sub3A_373 = arith.constant 0 : i32
          %sub3A_374 = arith.subi %scan3A_233, %sub3A_373 : i32
          %lt3A_375 = vector.broadcast %sub3A_374 : i32 to vector<16xi32>
          %lt3A_376 = arith.cmpi slt, %iota3A, %lt3A_375 : vector<16xi32>
          %select_n3A_377 = arith.select %lt3A_376, %get3A_372, %broadcast_in_dim3A_3 : vector<16xi1>, vector<16xi32>
          %sort3A = arith.constant dense<true> : vector<16xi1>
          %sort3A_378, %sort3A_379, %sort3A_380 = tpu.sort %select_n3A_377, %select_n3A_377 masked %sort3A : (vector<16xi32>, vector<16xi32>, vector<16xi1>) -> (vector<16xi1>, vector<16xi32>, vector<16xi32>)
          %rev3A = arith.constant 15 : i32
          %rev3A_381 = vector.broadcast %rev3A : i32 to vector<16xi32>
          %rev3A_382 = tpu.iota {dimensions = array<i32: 0>} : vector<16xi32>
          %rev3A_383 = arith.subi %rev3A_381, %rev3A_382 : vector<16xi32>
          %rev3A_384 = tpu.dynamic_gather %sort3A_379[%rev3A_383] in [0] : vector<16xi32>, vector<16xi32> -> vector<16xi32>
          %min3A_385 = arith.minsi %broadcast_in_dim3A_3, %rev3A_384 : vector<16xi32>
          %min3A_386 = arith.minsi %broadcast_in_dim3A_3, %min3A_385 : vector<16xi32>
          %max3A = arith.maxsi %broadcast_in_dim3A_3, %min3A_385 : vector<16xi32>
          %sort3A_387 = arith.constant dense<true> : vector<16xi1>
          %sort3A_388, %sort3A_389, %sort3A_390 = tpu.sort %min3A_386, %min3A_386 masked %sort3A_387 : (vector<16xi32>, vector<16xi32>, vector<16xi1>) -> (vector<16xi1>, vector<16xi32>, vector<16xi32>)
          %sort3A_391 = arith.constant dense<true> : vector<16xi1>
          %sort3A_392, %sort3A_393, %sort3A_394 = tpu.sort %max3A, %max3A masked %sort3A_391 : (vector<16xi32>, vector<16xi32>, vector<16xi1>) -> (vector<16xi1>, vector<16xi32>, vector<16xi32>)
          scf.yield %sort3A_389, %sort3A_393 : vector<16xi32>, vector<16xi32>
        } else {
          scf.yield %broadcast_in_dim3A_3, %broadcast_in_dim3A_3 : vector<16xi32>, vector<16xi32>
        }
        %gt3A_240 = arith.constant 16 : i32
        %gt3A_241 = arith.cmpi sgt, %scan3A_233, %gt3A_240 : i32
        %convert_element_type3A_242 = arith.extui %gt3A_241 : i1 to i32
        %cond3A_243 = arith.constant 0 : i32
        %cond3A_244 = arith.cmpi ne, %convert_element_type3A_242, %cond3A_243 : i32
        %cond3A_245:2 = scf.if %cond3A_244 -> (vector<16xi32>, vector<16xi32>) {
          %get3A_371 = arith.constant 16 : index
          %get3A_372 = tpu.vector_load %arg21[%get3A_371] {strides = array<i32>} : memref<112xi32, #tpu.memory_space<vmem>>, vector<16xi32>,
          %sub3A_373 = arith.constant 16 : i32
          %sub3A_374 = arith.subi %scan3A_233, %sub3A_373 : i32
          %lt3A_375 = vector.broadcast %sub3A_374 : i32 to vector<16xi32>
          %lt3A_376 = arith.cmpi slt, %iota3A, %lt3A_375 : vector<16xi32>
          %select_n3A_377 = arith.select %lt3A_376, %get3A_372, %broadcast_in_dim3A_3 : vector<16xi1>, vector<16xi32>
          %sort3A = arith.constant dense<true> : vector<16xi1>
          %sort3A_378, %sort3A_379, %sort3A_380 = tpu.sort %select_n3A_377, %select_n3A_377 masked %sort3A : (vector<16xi32>, vector<16xi32>, vector<16xi1>) -> (vector<16xi1>, vector<16xi32>, vector<16xi32>)
          %rev3A = arith.constant 15 : i32
          %rev3A_381 = vector.broadcast %rev3A : i32 to vector<16xi32>
          %rev3A_382 = tpu.iota {dimensions = array<i32: 0>} : vector<16xi32>
          %rev3A_383 = arith.subi %rev3A_381, %rev3A_382 : vector<16xi32>
          %rev3A_384 = tpu.dynamic_gather %sort3A_379[%rev3A_383] in [0] : vector<16xi32>, vector<16xi32> -> vector<16xi32>
          %min3A_385 = arith.minsi %cond3A_239#1, %rev3A_384 : vector<16xi32>
          %min3A_386 = arith.minsi %cond3A_239#0, %min3A_385 : vector<16xi32>
          %max3A = arith.maxsi %cond3A_239#0, %min3A_385 : vector<16xi32>
          %sort3A_387 = arith.constant dense<true> : vector<16xi1>
          %sort3A_388, %sort3A_389, %sort3A_390 = tpu.sort %min3A_386, %min3A_386 masked %sort3A_387 : (vector<16xi32>, vector<16xi32>, vector<16xi1>) -> (vector<16xi1>, vector<16xi32>, vector<16xi32>)
          %sort3A_391 = arith.constant dense<true> : vector<16xi1>
          %sort3A_392, %sort3A_393, %sort3A_394 = tpu.sort %max3A, %max3A masked %sort3A_391 : (vector<16xi32>, vector<16xi32>, vector<16xi1>) -> (vector<16xi1>, vector<16xi32>, vector<16xi32>)
          scf.yield %sort3A_389, %sort3A_393 : vector<16xi32>, vector<16xi32>
        } else {
          scf.yield %cond3A_239#0, %cond3A_239#1 : vector<16xi32>, vector<16xi32>
        }
        %gt3A_246 = arith.constant 32 : i32
        %gt3A_247 = arith.cmpi sgt, %scan3A_233, %gt3A_246 : i32
        %convert_element_type3A_248 = arith.extui %gt3A_247 : i1 to i32
        %cond3A_249 = arith.constant 0 : i32
        %cond3A_250 = arith.cmpi ne, %convert_element_type3A_248, %cond3A_249 : i32
        %cond3A_251:2 = scf.if %cond3A_250 -> (vector<16xi32>, vector<16xi32>) {
          %get3A_371 = arith.constant 32 : index
          %get3A_372 = tpu.vector_load %arg21[%get3A_371] {strides = array<i32>} : memref<112xi32, #tpu.memory_space<vmem>>, vector<16xi32>,
          %sub3A_373 = arith.constant 32 : i32
          %sub3A_374 = arith.subi %scan3A_233, %sub3A_373 : i32
          %lt3A_375 = vector.broadcast %sub3A_374 : i32 to vector<16xi32>
          %lt3A_376 = arith.cmpi slt, %iota3A, %lt3A_375 : vector<16xi32>
          %select_n3A_377 = arith.select %lt3A_376, %get3A_372, %broadcast_in_dim3A_3 : vector<16xi1>, vector<16xi32>
          %sort3A = arith.constant dense<true> : vector<16xi1>
          %sort3A_378, %sort3A_379, %sort3A_380 = tpu.sort %select_n3A_377, %select_n3A_377 masked %sort3A : (vector<16xi32>, vector<16xi32>, vector<16xi1>) -> (vector<16xi1>, vector<16xi32>, vector<16xi32>)
          %rev3A = arith.constant 15 : i32
          %rev3A_381 = vector.broadcast %rev3A : i32 to vector<16xi32>
          %rev3A_382 = tpu.iota {dimensions = array<i32: 0>} : vector<16xi32>
          %rev3A_383 = arith.subi %rev3A_381, %rev3A_382 : vector<16xi32>
          %rev3A_384 = tpu.dynamic_gather %sort3A_379[%rev3A_383] in [0] : vector<16xi32>, vector<16xi32> -> vector<16xi32>
          %min3A_385 = arith.minsi %cond3A_245#1, %rev3A_384 : vector<16xi32>
          %min3A_386 = arith.minsi %cond3A_245#0, %min3A_385 : vector<16xi32>
          %max3A = arith.maxsi %cond3A_245#0, %min3A_385 : vector<16xi32>
          %sort3A_387 = arith.constant dense<true> : vector<16xi1>
          %sort3A_388, %sort3A_389, %sort3A_390 = tpu.sort %min3A_386, %min3A_386 masked %sort3A_387 : (vector<16xi32>, vector<16xi32>, vector<16xi1>) -> (vector<16xi1>, vector<16xi32>, vector<16xi32>)
          %sort3A_391 = arith.constant dense<true> : vector<16xi1>
          %sort3A_392, %sort3A_393, %sort3A_394 = tpu.sort %max3A, %max3A masked %sort3A_391 : (vector<16xi32>, vector<16xi32>, vector<16xi1>) -> (vector<16xi1>, vector<16xi32>, vector<16xi32>)
          scf.yield %sort3A_389, %sort3A_393 : vector<16xi32>, vector<16xi32>
        } else {
          scf.yield %cond3A_245#0, %cond3A_245#1 : vector<16xi32>, vector<16xi32>
        }
        %gt3A_252 = arith.constant 48 : i32
        %gt3A_253 = arith.cmpi sgt, %scan3A_233, %gt3A_252 : i32
        %convert_element_type3A_254 = arith.extui %gt3A_253 : i1 to i32
        %cond3A_255 = arith.constant 0 : i32
        %cond3A_256 = arith.cmpi ne, %convert_element_type3A_254, %cond3A_255 : i32
        %cond3A_257:2 = scf.if %cond3A_256 -> (vector<16xi32>, vector<16xi32>) {
          %get3A_371 = arith.constant 48 : index
          %get3A_372 = tpu.vector_load %arg21[%get3A_371] {strides = array<i32>} : memref<112xi32, #tpu.memory_space<vmem>>, vector<16xi32>,
          %sub3A_373 = arith.constant 48 : i32
          %sub3A_374 = arith.subi %scan3A_233, %sub3A_373 : i32
          %lt3A_375 = vector.broadcast %sub3A_374 : i32 to vector<16xi32>
          %lt3A_376 = arith.cmpi slt, %iota3A, %lt3A_375 : vector<16xi32>
          %select_n3A_377 = arith.select %lt3A_376, %get3A_372, %broadcast_in_dim3A_3 : vector<16xi1>, vector<16xi32>
          %sort3A = arith.constant dense<true> : vector<16xi1>
          %sort3A_378, %sort3A_379, %sort3A_380 = tpu.sort %select_n3A_377, %select_n3A_377 masked %sort3A : (vector<16xi32>, vector<16xi32>, vector<16xi1>) -> (vector<16xi1>, vector<16xi32>, vector<16xi32>)
          %rev3A = arith.constant 15 : i32
          %rev3A_381 = vector.broadcast %rev3A : i32 to vector<16xi32>
          %rev3A_382 = tpu.iota {dimensions = array<i32: 0>} : vector<16xi32>
          %rev3A_383 = arith.subi %rev3A_381, %rev3A_382 : vector<16xi32>
          %rev3A_384 = tpu.dynamic_gather %sort3A_379[%rev3A_383] in [0] : vector<16xi32>, vector<16xi32> -> vector<16xi32>
          %min3A_385 = arith.minsi %cond3A_251#1, %rev3A_384 : vector<16xi32>
          %min3A_386 = arith.minsi %cond3A_251#0, %min3A_385 : vector<16xi32>
          %max3A = arith.maxsi %cond3A_251#0, %min3A_385 : vector<16xi32>
          %sort3A_387 = arith.constant dense<true> : vector<16xi1>
          %sort3A_388, %sort3A_389, %sort3A_390 = tpu.sort %min3A_386, %min3A_386 masked %sort3A_387 : (vector<16xi32>, vector<16xi32>, vector<16xi1>) -> (vector<16xi1>, vector<16xi32>, vector<16xi32>)
          %sort3A_391 = arith.constant dense<true> : vector<16xi1>
          %sort3A_392, %sort3A_393, %sort3A_394 = tpu.sort %max3A, %max3A masked %sort3A_391 : (vector<16xi32>, vector<16xi32>, vector<16xi1>) -> (vector<16xi1>, vector<16xi32>, vector<16xi32>)
          scf.yield %sort3A_389, %sort3A_393 : vector<16xi32>, vector<16xi32>
        } else {
          scf.yield %cond3A_251#0, %cond3A_251#1 : vector<16xi32>, vector<16xi32>
        }
        %gt3A_258 = arith.constant 64 : i32
        %gt3A_259 = arith.cmpi sgt, %scan3A_233, %gt3A_258 : i32
        %convert_element_type3A_260 = arith.extui %gt3A_259 : i1 to i32
        %cond3A_261 = arith.constant 0 : i32
        %cond3A_262 = arith.cmpi ne, %convert_element_type3A_260, %cond3A_261 : i32
        %cond3A_263:2 = scf.if %cond3A_262 -> (vector<16xi32>, vector<16xi32>) {
          %get3A_371 = arith.constant 64 : index
          %get3A_372 = tpu.vector_load %arg21[%get3A_371] {strides = array<i32>} : memref<112xi32, #tpu.memory_space<vmem>>, vector<16xi32>,
          %sub3A_373 = arith.constant 64 : i32
          %sub3A_374 = arith.subi %scan3A_233, %sub3A_373 : i32
          %lt3A_375 = vector.broadcast %sub3A_374 : i32 to vector<16xi32>
          %lt3A_376 = arith.cmpi slt, %iota3A, %lt3A_375 : vector<16xi32>
          %select_n3A_377 = arith.select %lt3A_376, %get3A_372, %broadcast_in_dim3A_3 : vector<16xi1>, vector<16xi32>
          %sort3A = arith.constant dense<true> : vector<16xi1>
          %sort3A_378, %sort3A_379, %sort3A_380 = tpu.sort %select_n3A_377, %select_n3A_377 masked %sort3A : (vector<16xi32>, vector<16xi32>, vector<16xi1>) -> (vector<16xi1>, vector<16xi32>, vector<16xi32>)
          %rev3A = arith.constant 15 : i32
          %rev3A_381 = vector.broadcast %rev3A : i32 to vector<16xi32>
          %rev3A_382 = tpu.iota {dimensions = array<i32: 0>} : vector<16xi32>
          %rev3A_383 = arith.subi %rev3A_381, %rev3A_382 : vector<16xi32>
          %rev3A_384 = tpu.dynamic_gather %sort3A_379[%rev3A_383] in [0] : vector<16xi32>, vector<16xi32> -> vector<16xi32>
          %min3A_385 = arith.minsi %cond3A_257#1, %rev3A_384 : vector<16xi32>
          %min3A_386 = arith.minsi %cond3A_257#0, %min3A_385 : vector<16xi32>
          %max3A = arith.maxsi %cond3A_257#0, %min3A_385 : vector<16xi32>
          %sort3A_387 = arith.constant dense<true> : vector<16xi1>
          %sort3A_388, %sort3A_389, %sort3A_390 = tpu.sort %min3A_386, %min3A_386 masked %sort3A_387 : (vector<16xi32>, vector<16xi32>, vector<16xi1>) -> (vector<16xi1>, vector<16xi32>, vector<16xi32>)
          %sort3A_391 = arith.constant dense<true> : vector<16xi1>
          %sort3A_392, %sort3A_393, %sort3A_394 = tpu.sort %max3A, %max3A masked %sort3A_391 : (vector<16xi32>, vector<16xi32>, vector<16xi1>) -> (vector<16xi1>, vector<16xi32>, vector<16xi32>)
          scf.yield %sort3A_389, %sort3A_393 : vector<16xi32>, vector<16xi32>
        } else {
          scf.yield %cond3A_257#0, %cond3A_257#1 : vector<16xi32>, vector<16xi32>
        }
        %gt3A_264 = arith.constant 80 : i32
        %gt3A_265 = arith.cmpi sgt, %scan3A_233, %gt3A_264 : i32
        %convert_element_type3A_266 = arith.extui %gt3A_265 : i1 to i32
        %cond3A_267 = arith.constant 0 : i32
        %cond3A_268 = arith.cmpi ne, %convert_element_type3A_266, %cond3A_267 : i32
        %cond3A_269:2 = scf.if %cond3A_268 -> (vector<16xi32>, vector<16xi32>) {
          %get3A_371 = arith.constant 80 : index
          %get3A_372 = tpu.vector_load %arg21[%get3A_371] {strides = array<i32>} : memref<112xi32, #tpu.memory_space<vmem>>, vector<16xi32>,
          %sub3A_373 = arith.constant 80 : i32
          %sub3A_374 = arith.subi %scan3A_233, %sub3A_373 : i32
          %lt3A_375 = vector.broadcast %sub3A_374 : i32 to vector<16xi32>
          %lt3A_376 = arith.cmpi slt, %iota3A, %lt3A_375 : vector<16xi32>
          %select_n3A_377 = arith.select %lt3A_376, %get3A_372, %broadcast_in_dim3A_3 : vector<16xi1>, vector<16xi32>
          %sort3A = arith.constant dense<true> : vector<16xi1>
          %sort3A_378, %sort3A_379, %sort3A_380 = tpu.sort %select_n3A_377, %select_n3A_377 masked %sort3A : (vector<16xi32>, vector<16xi32>, vector<16xi1>) -> (vector<16xi1>, vector<16xi32>, vector<16xi32>)
          %rev3A = arith.constant 15 : i32
          %rev3A_381 = vector.broadcast %rev3A : i32 to vector<16xi32>
          %rev3A_382 = tpu.iota {dimensions = array<i32: 0>} : vector<16xi32>
          %rev3A_383 = arith.subi %rev3A_381, %rev3A_382 : vector<16xi32>
          %rev3A_384 = tpu.dynamic_gather %sort3A_379[%rev3A_383] in [0] : vector<16xi32>, vector<16xi32> -> vector<16xi32>
          %min3A_385 = arith.minsi %cond3A_263#1, %rev3A_384 : vector<16xi32>
          %min3A_386 = arith.minsi %cond3A_263#0, %min3A_385 : vector<16xi32>
          %max3A = arith.maxsi %cond3A_263#0, %min3A_385 : vector<16xi32>
          %sort3A_387 = arith.constant dense<true> : vector<16xi1>
          %sort3A_388, %sort3A_389, %sort3A_390 = tpu.sort %min3A_386, %min3A_386 masked %sort3A_387 : (vector<16xi32>, vector<16xi32>, vector<16xi1>) -> (vector<16xi1>, vector<16xi32>, vector<16xi32>)
          %sort3A_391 = arith.constant dense<true> : vector<16xi1>
          %sort3A_392, %sort3A_393, %sort3A_394 = tpu.sort %max3A, %max3A masked %sort3A_391 : (vector<16xi32>, vector<16xi32>, vector<16xi1>) -> (vector<16xi1>, vector<16xi32>, vector<16xi32>)
          scf.yield %sort3A_389, %sort3A_393 : vector<16xi32>, vector<16xi32>
        } else {
          scf.yield %cond3A_263#0, %cond3A_263#1 : vector<16xi32>, vector<16xi32>
        }
        %min3A_270 = arith.constant 32 : i32
        %min3A_271 = arith.minsi %scan3A_233, %min3A_270 : i32
        %lt3A = arith.constant 2147483647 : i32
        %lt3A_272 = vector.broadcast %lt3A : i32 to vector<16xi32>
        %lt3A_273 = arith.cmpi slt, %cond3A_269#0, %lt3A_272 : vector<16xi32>
        %lt3A_274 = arith.constant 2147483647 : i32
        %lt3A_275 = vector.broadcast %lt3A_274 : i32 to vector<16xi32>
        %lt3A_276 = arith.cmpi slt, %cond3A_269#1, %lt3A_275 : vector<16xi32>
        %shift_right_arithmetic3A = arith.constant 14 : i32
        %shift_right_arithmetic3A_277 = vector.broadcast %shift_right_arithmetic3A : i32 to vector<16xi32>
        %shift_right_arithmetic3A_278 = arith.shrsi %cond3A_269#0, %shift_right_arithmetic3A_277 : vector<16xi32>
        %jit3A = arith.constant 0 : i32
        %broadcast_in_dim3A_279 = vector.broadcast %jit3A : i32 to vector<16xi32>
        %select_n3A_280 = arith.select %lt3A_273, %shift_right_arithmetic3A_278, %broadcast_in_dim3A_279 : vector<16xi1>, vector<16xi32>
        %shift_right_arithmetic3A_281 = arith.constant 14 : i32
        %shift_right_arithmetic3A_282 = vector.broadcast %shift_right_arithmetic3A_281 : i32 to vector<16xi32>
        %shift_right_arithmetic3A_283 = arith.shrsi %cond3A_269#1, %shift_right_arithmetic3A_282 : vector<16xi32>
        %jit3A_284 = arith.constant 0 : i32
        %broadcast_in_dim3A_285 = vector.broadcast %jit3A_284 : i32 to vector<16xi32>
        %select_n3A_286 = arith.select %lt3A_276, %shift_right_arithmetic3A_283, %broadcast_in_dim3A_285 : vector<16xi1>, vector<16xi32>
        %and3A = arith.constant 16383 : i32
        %and3A_287 = vector.broadcast %and3A : i32 to vector<16xi32>
        %and3A_288 = arith.andi %cond3A_269#0, %and3A_287 : vector<16xi32>
        %jit3A_289 = arith.constant 0 : i32
        %broadcast_in_dim3A_290 = vector.broadcast %jit3A_289 : i32 to vector<16xi32>
        %select_n3A_291 = arith.select %lt3A_273, %and3A_288, %broadcast_in_dim3A_290 : vector<16xi1>, vector<16xi32>
        %and3A_292 = arith.constant 16383 : i32
        %and3A_293 = vector.broadcast %and3A_292 : i32 to vector<16xi32>
        %and3A_294 = arith.andi %cond3A_269#1, %and3A_293 : vector<16xi32>
        %jit3A_295 = arith.constant 0 : i32
        %broadcast_in_dim3A_296 = vector.broadcast %jit3A_295 : i32 to vector<16xi32>
        %select_n3A_297 = arith.select %lt3A_276, %and3A_294, %broadcast_in_dim3A_296 : vector<16xi1>, vector<16xi32>
        %swap3A_298 = arith.index_cast %scan3A_23 : i32 to index
        %swap3A_299 = arith.constant 0 : index
        %swap3A_300 = tpu.vector_load %arg23[%swap3A_298, %swap3A_299] {strides = array<i32>} : memref<128x32xi32, #tpu.memory_space<vmem>>, vector<16xi32>,
        tpu.vector_store %arg23[%swap3A_298, %swap3A_299], %select_n3A_280 {strides = array<i32>} : memref<128x32xi32, #tpu.memory_space<vmem>>, vector<16xi32>,
        %swap3A_301 = arith.index_cast %scan3A_23 : i32 to index
        %swap3A_302 = arith.constant 16 : index
        %swap3A_303 = tpu.vector_load %arg23[%swap3A_301, %swap3A_302] {strides = array<i32>} : memref<128x32xi32, #tpu.memory_space<vmem>>, vector<16xi32>,
        tpu.vector_store %arg23[%swap3A_301, %swap3A_302], %select_n3A_286 {strides = array<i32>} : memref<128x32xi32, #tpu.memory_space<vmem>>, vector<16xi32>,
        %mul3A_304 = arith.constant 3 : i32
        %mul3A_305 = vector.broadcast %mul3A_304 : i32 to vector<16xi32>
        %mul3A_306 = arith.muli %iota3A, %mul3A_305 : vector<16xi32>
        %gather3A = tpu.vector_load_idx %arg13[%select_n3A_291] : memref<16432xf32, #tpu.memory_space<vmem>>[vector<16xi32>], vector<16xf32>,
        %jit3A_307 = arith.constant 0.000000e+00 : f32
        %broadcast_in_dim3A_308 = vector.broadcast %jit3A_307 : f32 to vector<16xf32>
        %select_n3A_309 = arith.select %lt3A_273, %gather3A, %broadcast_in_dim3A_308 : vector<16xi1>, vector<16xf32>
        %gather3A_310 = tpu.vector_load_idx %arg14[%select_n3A_291] : memref<16432xf32, #tpu.memory_space<vmem>>[vector<16xi32>], vector<16xf32>,
        %jit3A_311 = arith.constant 0.000000e+00 : f32
        %broadcast_in_dim3A_312 = vector.broadcast %jit3A_311 : f32 to vector<16xf32>
        %select_n3A_313 = arith.select %lt3A_273, %gather3A_310, %broadcast_in_dim3A_312 : vector<16xi1>, vector<16xf32>
        %gather3A_314 = tpu.vector_load_idx %arg15[%select_n3A_291] : memref<16432xf32, #tpu.memory_space<vmem>>[vector<16xi32>], vector<16xf32>,
        %jit3A_315 = arith.constant 0.000000e+00 : f32
        %broadcast_in_dim3A_316 = vector.broadcast %jit3A_315 : f32 to vector<16xf32>
        %select_n3A_317 = arith.select %lt3A_273, %gather3A_314, %broadcast_in_dim3A_316 : vector<16xi1>, vector<16xf32>
        %scatter3A = arith.constant 0 : i32
        %scatter3A_318 = tpu.memref_slice %arg24[%scan3A_23, %scatter3A] : memref<128x96xf32, #tpu.memory_space<vmem>> -> memref<1x96xf32, #tpu.memory_space<vmem>>
        %scatter3A_319 = tpu.memref_squeeze %scatter3A_318 : memref<1x96xf32, #tpu.memory_space<vmem>> -> memref<96xf32, #tpu.memory_space<vmem>>
        tpu.vector_store_idx %scatter3A_319[%mul3A_306], %select_n3A_309 : memref<96xf32, #tpu.memory_space<vmem>>[vector<16xi32>], vector<16xf32>,
        %add3A_320 = arith.constant 1 : i32
        %add3A_321 = vector.broadcast %add3A_320 : i32 to vector<16xi32>
        %add3A_322 = arith.addi %mul3A_306, %add3A_321 : vector<16xi32>
        %scatter3A_323 = arith.constant 0 : i32
        %scatter3A_324 = tpu.memref_slice %arg24[%scan3A_23, %scatter3A_323] : memref<128x96xf32, #tpu.memory_space<vmem>> -> memref<1x96xf32, #tpu.memory_space<vmem>>
        %scatter3A_325 = tpu.memref_squeeze %scatter3A_324 : memref<1x96xf32, #tpu.memory_space<vmem>> -> memref<96xf32, #tpu.memory_space<vmem>>
        tpu.vector_store_idx %scatter3A_325[%add3A_322], %select_n3A_313 : memref<96xf32, #tpu.memory_space<vmem>>[vector<16xi32>], vector<16xf32>,
        %add3A_326 = arith.constant 2 : i32
        %add3A_327 = vector.broadcast %add3A_326 : i32 to vector<16xi32>
        %add3A_328 = arith.addi %mul3A_306, %add3A_327 : vector<16xi32>
        %scatter3A_329 = arith.constant 0 : i32
        %scatter3A_330 = tpu.memref_slice %arg24[%scan3A_23, %scatter3A_329] : memref<128x96xf32, #tpu.memory_space<vmem>> -> memref<1x96xf32, #tpu.memory_space<vmem>>
        %scatter3A_331 = tpu.memref_squeeze %scatter3A_330 : memref<1x96xf32, #tpu.memory_space<vmem>> -> memref<96xf32, #tpu.memory_space<vmem>>
        tpu.vector_store_idx %scatter3A_331[%add3A_328], %select_n3A_317 : memref<96xf32, #tpu.memory_space<vmem>>[vector<16xi32>], vector<16xf32>,
        %gather3A_332 = tpu.vector_load_idx %arg13[%select_n3A_297] : memref<16432xf32, #tpu.memory_space<vmem>>[vector<16xi32>], vector<16xf32>,
        %jit3A_333 = arith.constant 0.000000e+00 : f32
        %broadcast_in_dim3A_334 = vector.broadcast %jit3A_333 : f32 to vector<16xf32>
        %select_n3A_335 = arith.select %lt3A_276, %gather3A_332, %broadcast_in_dim3A_334 : vector<16xi1>, vector<16xf32>
        %gather3A_336 = tpu.vector_load_idx %arg14[%select_n3A_297] : memref<16432xf32, #tpu.memory_space<vmem>>[vector<16xi32>], vector<16xf32>,
        %jit3A_337 = arith.constant 0.000000e+00 : f32
        %broadcast_in_dim3A_338 = vector.broadcast %jit3A_337 : f32 to vector<16xf32>
        %select_n3A_339 = arith.select %lt3A_276, %gather3A_336, %broadcast_in_dim3A_338 : vector<16xi1>, vector<16xf32>
        %gather3A_340 = tpu.vector_load_idx %arg15[%select_n3A_297] : memref<16432xf32, #tpu.memory_space<vmem>>[vector<16xi32>], vector<16xf32>,
        %jit3A_341 = arith.constant 0.000000e+00 : f32
        %broadcast_in_dim3A_342 = vector.broadcast %jit3A_341 : f32 to vector<16xf32>
        %select_n3A_343 = arith.select %lt3A_276, %gather3A_340, %broadcast_in_dim3A_342 : vector<16xi1>, vector<16xf32>
        %add3A_344 = arith.constant 48 : i32
        %add3A_345 = vector.broadcast %add3A_344 : i32 to vector<16xi32>
        %add3A_346 = arith.addi %mul3A_306, %add3A_345 : vector<16xi32>
        %scatter3A_347 = arith.constant 0 : i32
        %scatter3A_348 = tpu.memref_slice %arg24[%scan3A_23, %scatter3A_347] : memref<128x96xf32, #tpu.memory_space<vmem>> -> memref<1x96xf32, #tpu.memory_space<vmem>>
        %scatter3A_349 = tpu.memref_squeeze %scatter3A_348 : memref<1x96xf32, #tpu.memory_space<vmem>> -> memref<96xf32, #tpu.memory_space<vmem>>
        tpu.vector_store_idx %scatter3A_349[%add3A_346], %select_n3A_335 : memref<96xf32, #tpu.memory_space<vmem>>[vector<16xi32>], vector<16xf32>,
        %add3A_350 = arith.constant 49 : i32
        %add3A_351 = vector.broadcast %add3A_350 : i32 to vector<16xi32>
        %add3A_352 = arith.addi %mul3A_306, %add3A_351 : vector<16xi32>
        %scatter3A_353 = arith.constant 0 : i32
        %scatter3A_354 = tpu.memref_slice %arg24[%scan3A_23, %scatter3A_353] : memref<128x96xf32, #tpu.memory_space<vmem>> -> memref<1x96xf32, #tpu.memory_space<vmem>>
        %scatter3A_355 = tpu.memref_squeeze %scatter3A_354 : memref<1x96xf32, #tpu.memory_space<vmem>> -> memref<96xf32, #tpu.memory_space<vmem>>
        tpu.vector_store_idx %scatter3A_355[%add3A_352], %select_n3A_339 : memref<96xf32, #tpu.memory_space<vmem>>[vector<16xi32>], vector<16xf32>,
        %add3A_356 = arith.constant 50 : i32
        %add3A_357 = vector.broadcast %add3A_356 : i32 to vector<16xi32>
        %add3A_358 = arith.addi %mul3A_306, %add3A_357 : vector<16xi32>
        %scatter3A_359 = arith.constant 0 : i32
        %scatter3A_360 = tpu.memref_slice %arg24[%scan3A_23, %scatter3A_359] : memref<128x96xf32, #tpu.memory_space<vmem>> -> memref<1x96xf32, #tpu.memory_space<vmem>>
        %scatter3A_361 = tpu.memref_squeeze %scatter3A_360 : memref<1x96xf32, #tpu.memory_space<vmem>> -> memref<96xf32, #tpu.memory_space<vmem>>
        tpu.vector_store_idx %scatter3A_361[%add3A_358], %select_n3A_343 : memref<96xf32, #tpu.memory_space<vmem>>[vector<16xi32>], vector<16xf32>,
        %broadcast_in_dim3A_362 = vector.broadcast %scan3A_23 : i32 to vector<16xi32>
        %broadcast_in_dim3A_363 = arith.constant 1 : i32
        %broadcast_in_dim3A_364 = vector.broadcast %broadcast_in_dim3A_363 : i32 to vector<16xi32>
        %mul3A_365 = vector.broadcast %min3A_271 : i32 to vector<16xi32>
        %mul3A_366 = arith.muli %broadcast_in_dim3A_364, %mul3A_365 : vector<16xi32>
        %eq3A_367 = arith.constant 0 : i32
        %eq3A_368 = vector.broadcast %eq3A_367 : i32 to vector<16xi32>
        %eq3A_369 = arith.cmpi eq, %iota3A, %eq3A_368 : vector<16xi32>
        tpu.vector_store_idx %arg25[%broadcast_in_dim3A_362], %mul3A_366 masked %eq3A_369 : memref<128xi32, #tpu.memory_space<vmem>>[vector<16xi32>], vector<16xi32>, vector<16xi1>
        %scan3A_370 = arith.constant 0 : i32
        scf.yield %scan3A_370 : i32
      }
      %scan3A_18 = arith.constant 128 : i32
      %mul3A_19 = arith.constant 128 : i32
      %mul3A_20 = arith.muli %scan3A_10, %mul3A_19 : i32
      %add3A_21 = arith.addi %mul3A_2, %mul3A_20 : i32
      "tpu.region"() ({
        %run_scoped3A = tpu.sem_alloc : memref<!tpu.dma_semaphore, #tpu.memory_space<semaphore_mem>>
        %dma_start3A = arith.constant 0 : i32
        %dma_start3A_23 = tpu.memref_slice %arg10[%add3A_21, %dma_start3A] : memref<16384x32xi32, #tpu.memory_space<hbm>> -> memref<128x32xi32, #tpu.memory_space<hbm>>
        %dma_start3A_24 = arith.constant 0 : i32
        %dma_start3A_25 = tpu.memref_slice %arg10[%add3A_21, %dma_start3A_24] : memref<16384x32xi32, #tpu.memory_space<hbm>> -> memref<128x32xi32, #tpu.memory_space<hbm>>
        tpu.enqueue_dma source(%arg23 : memref<128x32xi32, #tpu.memory_space<vmem>>) target(%dma_start3A_25 : memref<128x32xi32, #tpu.memory_space<hbm>>) target_semaphore(%run_scoped3A : memref<!tpu.dma_semaphore, #tpu.memory_space<semaphore_mem>>)
        %dma_wait3A = arith.constant 0 : i32
        %dma_wait3A_26 = tpu.memref_slice %arg10[%add3A_21, %dma_wait3A] : memref<16384x32xi32, #tpu.memory_space<hbm>> -> memref<128x32xi32, #tpu.memory_space<hbm>>
        %dma_wait3A_27 = arith.constant 0 : i32
        %dma_wait3A_28 = tpu.memref_slice %arg10[%add3A_21, %dma_wait3A_27] : memref<16384x32xi32, #tpu.memory_space<hbm>> -> memref<128x32xi32, #tpu.memory_space<hbm>>
        tpu.wait_dma2 semaphore(%run_scoped3A : memref<!tpu.dma_semaphore, #tpu.memory_space<semaphore_mem>>) src(%arg23 : memref<128x32xi32, #tpu.memory_space<vmem>>) dst(%dma_wait3A_28 : memref<128x32xi32, #tpu.memory_space<hbm>>)
        tpu.yield
      }) : () -> ()
      "tpu.region"() ({
        %run_scoped3A = tpu.sem_alloc : memref<!tpu.dma_semaphore, #tpu.memory_space<semaphore_mem>>
        %dma_start3A = arith.constant 0 : i32
        %dma_start3A_23 = tpu.memref_slice %arg12[%add3A_21, %dma_start3A] : memref<16384x96xf32, #tpu.memory_space<hbm>> -> memref<128x96xf32, #tpu.memory_space<hbm>>
        %dma_start3A_24 = arith.constant 0 : i32
        %dma_start3A_25 = tpu.memref_slice %arg12[%add3A_21, %dma_start3A_24] : memref<16384x96xf32, #tpu.memory_space<hbm>> -> memref<128x96xf32, #tpu.memory_space<hbm>>
        tpu.enqueue_dma source(%arg24 : memref<128x96xf32, #tpu.memory_space<vmem>>) target(%dma_start3A_25 : memref<128x96xf32, #tpu.memory_space<hbm>>) target_semaphore(%run_scoped3A : memref<!tpu.dma_semaphore, #tpu.memory_space<semaphore_mem>>)
        %dma_wait3A = arith.constant 0 : i32
        %dma_wait3A_26 = tpu.memref_slice %arg12[%add3A_21, %dma_wait3A] : memref<16384x96xf32, #tpu.memory_space<hbm>> -> memref<128x96xf32, #tpu.memory_space<hbm>>
        %dma_wait3A_27 = arith.constant 0 : i32
        %dma_wait3A_28 = tpu.memref_slice %arg12[%add3A_21, %dma_wait3A_27] : memref<16384x96xf32, #tpu.memory_space<hbm>> -> memref<128x96xf32, #tpu.memory_space<hbm>>
        tpu.wait_dma2 semaphore(%run_scoped3A : memref<!tpu.dma_semaphore, #tpu.memory_space<semaphore_mem>>) src(%arg24 : memref<128x96xf32, #tpu.memory_space<vmem>>) dst(%dma_wait3A_28 : memref<128x96xf32, #tpu.memory_space<hbm>>)
        tpu.yield
      }) : () -> ()
      "tpu.region"() ({
        %run_scoped3A = tpu.sem_alloc : memref<!tpu.dma_semaphore, #tpu.memory_space<semaphore_mem>>
        %dma_start3A = tpu.memref_slice %arg11[%add3A_21] : memref<16384xi32, #tpu.memory_space<hbm>> -> memref<128xi32, #tpu.memory_space<hbm>>
        %dma_start3A_23 = tpu.memref_slice %arg11[%add3A_21] : memref<16384xi32, #tpu.memory_space<hbm>> -> memref<128xi32, #tpu.memory_space<hbm>>
        tpu.enqueue_dma source(%arg25 : memref<128xi32, #tpu.memory_space<vmem>>) target(%dma_start3A_23 : memref<128xi32, #tpu.memory_space<hbm>>) target_semaphore(%run_scoped3A : memref<!tpu.dma_semaphore, #tpu.memory_space<semaphore_mem>>)
        %dma_wait3A = tpu.memref_slice %arg11[%add3A_21] : memref<16384xi32, #tpu.memory_space<hbm>> -> memref<128xi32, #tpu.memory_space<hbm>>
        %dma_wait3A_24 = tpu.memref_slice %arg11[%add3A_21] : memref<16384xi32, #tpu.memory_space<hbm>> -> memref<128xi32, #tpu.memory_space<hbm>>
        tpu.wait_dma2 semaphore(%run_scoped3A : memref<!tpu.dma_semaphore, #tpu.memory_space<semaphore_mem>>) src(%arg25 : memref<128xi32, #tpu.memory_space<vmem>>) dst(%dma_wait3A_24 : memref<128xi32, #tpu.memory_space<hbm>>)
        tpu.yield
      }) : () -> ()
      %scan3A_22 = arith.constant 0 : i32
      scf.yield %scan3A_22 : i32
    }
    %scan3A_9 = arith.constant 4 : i32
    return
  }
}

</mosaic_0001>

<sc_bundles>
// kernel: _ballq.3.cloned.1.call-start
scs
__scs_entry_jumppad:
0x0: {  	(pc) =	sbr.rel $0x88, $3  }
0x1: {  	(tag) =	ssettag $0x0;
	lr =	simm.s32 $0x1  }
0x2: {  	[smem:$0x3F99] =	sst lr;
	_ =	strace $0xD0000000  }
0x3: {  	_ = 	snop  }
0x4: {  	_ = 	snop  }
0x5: {  	_ = 	snop  }
0x6: {  	_ = 	snop  }
0x7: {  	_ = 	snop  }
__scs_overlays_trampoline_lowered:
0x8: {  	[smem:$0x3FA8] =	sst s0  }
0x9: {  	[smem:$0x3FA9] =	sst s1  }
0xa: {  	[smem:$0x3FAA] =	sst s2  }
0xb: {  	[smem:$0x3FAB] =	sst s3  }
0xc: {  	[smem:$0x3FAC] =	sst s4  }
0xd: {  	[smem:$0x3FAD] =	sst s5  }
0xe: {  	[smem:$0x3FAE] =	sst s6  }
0xf: {  	[smem:$0x3FAF] =	sst s7  }
0x10: {  	[smem:$0x3FB0] =	sst s8  }
0x11: {  	[smem:$0x3FB1] =	sst s9;
	s0 =	simm.s32 @!p0 $0x0  }
0x12: {  	s1 =	sld [smem:$0x3F97];
	s0 =	simm.s32 @p0 $0x1  }
0x13: {  	[smem:$0x3FB2] =	sst s0;
	s0 =	simm.s32 @!p1 $0x0  }
0x14: {  	s2 =	sld [smem:$0x3F96];
	s0 =	simm.s32 @p1 $0x1  }
0x15: {  	[smem:$0x3FB3] =	sst s0;
	s0 =	simm.s32 @!p2 $0x0  }
0x16: {  	s3 =	sld [smem:$0x3FDB];
	s0 =	simm.s32 @p2 $0x1  }
0x17: {  	s4 =	simm.s32 $0x1BF5;
	[smem:$0x3FB5] =	sst s0  }
0x18: {  	s0 =	sld [smem:$0x3F98];
	_ =	swait.ge [sflag:s4], $0x0  }
0x19: {  	s7 =	sld [smem:$0x3F99]  }
0x1a: {  	s8 =	sadd.s32 $0xFFFFE003, lr  }
0x1b: {  	s9 =	sadd.s32 $0xFFFFFEF7, lr;
	s5 =	simm.s32 $0xFFFFFFFF;
	p2 =	slt.u32 s8, $0xFFFFF086  }
0x1c: {  	p1 =	slt.u32 s9, $0xF7A;
	s5 =	simm.s32 @!p2 $0x0  }
0x1d: {  	s5 =	simm.s32 @p1 $0x1;
	p0 =	seq.s32 s7, s2  }
0x1e: {  	s7 =	smul.u32 @!p0 $0xF7A, s2;
	p2 =	seq.s32 @!p0 s5, $0x0  }
0x1f: {  	s9 =	smul.u32 $0xF7A, s1;
	s8 =	simm.s32 @!p0 $0x1BF5;
	p2 =	por !p2, p0  }
0x20: {  	[sflag:s8] =	ssyncset.s32 @!p0 $0xFFFFF086;
	s6 =	sadd.s32 @!p0 s3, s7;
	s7 =	simm.s32 @!p0 $0x108  }
0x21: {  	s3 =	sadd.s32 s3, s9;
	s6 =	sadd.s32 @!p0 $0x88, s6;
	s7 =	simm.s32 @p2 $0x1082  }
0x22: {  	[simem:s7], [sflag:s8] =	dma.local @!p0 [hbm:s6], $0xF7A  }
0x23: {  	s9 =	sor.u32 $0xD0000000, s2;
	s6 =	simm.s32 $0x108;
	_ =	swait.ge @!p0 [sflag:s8], $0x0  }
0x24: {  	s3 =	sadd.s32 $0x88, s3;
	s6 =	simm.s32 @!p1 $0x1082;
	[sflag:s4] =	ssyncset.s32 $0xFFFFF086  }
0x25: {  	[simem:s6], [sflag:s4] =	dma.local [hbm:s3], $0xF7A  }
0x26: {  	[smem:$0x3F99] =	sst s1;
	(tag) =	ssettag s2;
	_ =	strace s9  }
0x27: {  	s1 =	sld [smem:$0x3FA9]  }
0x28: {  	s2 =	sld [smem:$0x3FAA]  }
0x29: {  	s4 =	sld [smem:$0x3FAC]  }
0x2a: {  	p0 =	seq.s32 s5, $0x0;
	s5 =	sld [smem:$0x3FAD]  }
0x2b: {  	s6 =	sld [smem:$0x3FAE]  }
0x2c: {  	s7 =	sld [smem:$0x3FAF]  }
0x2d: {  	s3 =	simm.s32 $0x108;
	s8 =	sld [smem:$0x3FB0]  }
0x2e: {  	s3 =	simm.s32 @!p0 $0x1082;
	s9 =	sld [smem:$0x3FB1]  }
0x2f: {  	lr =	sadd.s32 s0, s3;
	s0 =	sld [smem:$0x3FA8]  }
0x30: {  	s3 =	sld [smem:$0x3FAB]  }
0x31: {  	[smem:$0x3FB4] =	sst s10  }
0x32: {  	s10 =	sld [smem:$0x3FB2];
	_ =	sdelay $0x3  }
0x33: {  	p0 =	seq.s32 s10, $0x1;
	s10 =	sld [smem:$0x3FB4];
	_ =	sdelay $0x3  }
0x34: {  	[smem:$0x3FB4] =	sst s10  }
0x35: {  	s10 =	sld [smem:$0x3FB3];
	_ =	sdelay $0x3  }
0x36: {  	p1 =	seq.s32 s10, $0x1;
	s10 =	sld [smem:$0x3FB4];
	_ =	sdelay $0x3  }
0x37: {  	[smem:$0x3FB4] =	sst s10  }
0x38: {  	s10 =	sld [smem:$0x3FB5]  }
0x39: {  	_ = 	snop;
	(pc) =	sbr.ind lr, $3  }
0x3a: {  	_ = 	snop  }
0x3b: {  	_ = 	snop  }
0x3c: {  	p2 =	seq.s32 s10, $0x1;
	s10 =	sld [smem:$0x3FB4]  }
0x3d: {  	_ =	shalt  }
0x3e: {  	_ =	shalt  }
0x3f: {  	_ =	shalt  }
0x40: {  	_ =	shalt  }
0x41: {  	_ =	shalt  }
0x42: {  	_ =	shalt  }
0x43: {  	_ =	shalt  }
0x44: {  	_ =	shalt  }
0x45: {  	_ =	shalt  }
0x46: {  	_ =	shalt  }
0x47: {  	_ =	shalt  }
0x48: {  	_ =	shalt  }
0x49: {  	_ =	shalt  }
0x4a: {  	_ =	shalt  }
0x4b: {  	_ =	shalt  }
0x4c: {  	_ =	shalt  }
0x4d: {  	_ =	shalt  }
0x4e: {  	_ =	shalt  }
0x4f: {  	_ =	shalt  }
0x50: {  	_ =	shalt  }
0x51: {  	_ =	shalt  }
0x52: {  	_ =	shalt  }
0x53: {  	_ =	shalt  }
0x54: {  	_ =	shalt  }
0x55: {  	_ =	shalt  }
0x56: {  	_ =	shalt  }
0x57: {  	_ =	shalt  }
0x58: {  	_ =	shalt  }
0x59: {  	_ =	shalt  }
0x5a: {  	_ =	shalt  }
0x5b: {  	_ =	shalt  }
0x5c: {  	_ =	shalt  }
0x5d: {  	_ =	shalt  }
0x5e: {  	_ =	shalt  }
0x5f: {  	_ =	shalt  }
0x60: {  	_ =	shalt  }
0x61: {  	_ =	shalt  }
0x62: {  	_ =	shalt  }
0x63: {  	_ =	shalt  }
0x64: {  	_ =	shalt  }
0x65: {  	_ =	shalt  }
0x66: {  	_ =	shalt  }
0x67: {  	_ =	shalt  }
0x68: {  	_ =	shalt  }
0x69: {  	_ =	shalt  }
0x6a: {  	_ =	shalt  }
0x6b: {  	_ =	shalt  }
0x6c: {  	_ =	shalt  }
0x6d: {  	_ =	shalt  }
0x6e: {  	_ =	shalt  }
0x6f: {  	_ =	shalt  }
0x70: {  	_ =	shalt  }
0x71: {  	_ =	shalt  }
0x72: {  	_ =	shalt  }
0x73: {  	_ =	shalt  }
0x74: {  	_ =	shalt  }
0x75: {  	_ =	shalt  }
0x76: {  	_ =	shalt  }
0x77: {  	_ =	shalt  }
0x78: {  	_ =	shalt  }
0x79: {  	_ =	shalt  }
0x7a: {  	_ =	shalt  }
0x7b: {  	_ =	shalt  }
0x7c: {  	_ =	shalt  }
0x7d: {  	_ =	shalt  }
0x7e: {  	_ =	shalt  }
0x7f: {  	_ =	shalt  }
0x80: {  	_ =	shalt  }
0x81: {  	_ =	shalt  }
0x82: {  	_ =	shalt  }
0x83: {  	_ =	shalt  }
0x84: {  	_ =	shalt  }
0x85: {  	_ =	shalt  }
0x86: {  	_ =	shalt  }
0x87: {  	_ =	shalt  }
.Lfunc_end0:
.L_simem_size_0:
called_computation_lowered:
.L_overlay_start_0:
0x88: {  	s2 =	sld [smem:$0x3FD9]  }
0x89: {  	s3 =	sld [smem:$0x3FFE];
	_ =	sdelay $0x1  }
0x8a: {  	s1 =	srdreg.scid  }
0x8b: {  	s0 =	sand.u32 $0x1, s1  }
0x8c: {  	s30 =	sshll.u32 s0, $0xA;
	s2 =	sadd.s32 s3, s2  }
0x8d: {  	s2 =	sadd.s32 s2, s30  }
0x8e: {  	[smem:$0x3FC0] =	sst s2  }
0x8f: {  	_ = 	snop  }
0x90: {  	s2 =	sld [smem:$0x3FC9]  }
0x91: {  	s31 =	sld [smem:$0x3FC8]  }
0x92: {  	s4 =	sld [smem:$0x3FC7]  }
0x93: {  	s5 =	sld [smem:$0x3FC6]  }
0x94: {  	s6 =	sld [smem:$0x3FC5]  }
0x95: {  	s7 =	sld [smem:$0x3FD0]  }
0x96: {  	s8 =	sld [smem:$0x3FC4]  }
0x97: {  	s9 =	sld [smem:$0x3FC3]  }
0x98: {  	s11 =	simm.s32 $0xA;
	s12 =	simm.s32 $0x10;
	s10 =	sld [smem:$0x3FC2]  }
0x99: {  	[smem:s12], [sflag:s11] =	dma.local [hbm:s7], $0x1  }
0x9a: {  	_ =	swait.eq [sflag:s11], $0x1  }
0x9b: {  	[sflag:s11] =	ssyncset.done $0x0  }
0x9c: {  	[sflag:s11] =	ssyncadd.s32 $0xFFFFFFFF  }
0x9d: {  	s16 =	sld [smem:$0x11];
	(tm) =	ssettm $0x1  }
0x9e: {  	s17 =	sld [smem:$0x3FFB];
	_ =	sdelay $0x3  }
0x9f: {  	_ =	strace s17  }
0xa0: {  	s11 =	sld [smem:$0x3FFC];
	_ =	sdelay $0x3  }
0xa1: {  	_ =	strace s11  }
0xa2: {  	s11 =	sld [smem:$0x3FFD];
	_ =	sdelay $0x3  }
0xa3: {  	_ =	strace s11  }
0xa4: {  	_ =	strace $0x8FFFFFFF  }
0xa5: {  	s18 =	sld [smem:$0x3FDB];
	_ =	sdelay $0x1  }
0xa6: {  	s19 =	simm.s32 $_scs_section_size  }
0xa7: {  	s13 =	simm.s32 $_size__tile_overlayer_lowered;
	s14 =	simm.s32 $_tile_overlayer_lowered  }
0xa8: {  	s22 =	simm.s32 $0x1BFF;
	s21 =	sshll.u32 s14, $0x1;
	s11 =	sadd.s32 s19, s18  }
0xa9: {  	s15 =	simm.s32 $0x0;
	s20 =	sshll.u32 s13, $0x1;
	s13 =	sadd.s32 s21, s11  }
0xaa: {  	[timem:s15], [sflag:s22] =	dma.local [hbm:s13], s20  }
0xab: {  	_ =	swait.ge [sflag:s22], s20  }
0xac: {  	s12 =	ssub.s32 $0x0, s20;
	[sflag:s22] =	ssyncset.done $0x0  }
0xad: {  	[sflag:s22] =	ssyncadd.s32 s12;
	_ =	sdelay $0x1  }
0xae: {  	s23 =	simm.s32 $0x1B8B  }
0xaf: {  	_ =	swait.ge [sflag:s23], $0x1  }
0xb0: {  	[sflag:s23] =	ssyncset.done $0x0  }
0xb1: {  	s25 =	simm.s32 $0x1B8E;
	s24 =	sld [smem:$0x3FFE];
	[sflag:s23] =	ssyncadd.s32 $0xFFFFFFFF  }
0xb2: {  	s26 =	simm.s32 $execute0_lowered;
	[smem:$0x3FD2] =	sst s25  }
0xb3: {  	s13 =	sshll.u32 s26, $0x1;
	_ =	strace $0x80000046;
	[dreg:$0x1] =	wrdreg $0xFFFFFFFF  }
0xb4: {  	s28 =	simm.s32 $_size_execute0_lowered;
	s11 =	sadd.s32 s11, s13;
	[dreg:$0x0] =	wrdreg $0x0  }
0xb5: {  	s13 =	sshll.u32 s28, $0x1;
	[dreg:$0x2] =	wrdreg s11  }
0xb6: {  	[dreg:$0x3] =	wrdreg s13  }
0xb7: {  	[dreg:$0x4] =	wrdreg $0xC0  }
0xb8: {  	_ =	task [dreg:s15], $0x5FFFF  }
0xb9: {  	[dreg:$0x1] =	wrdreg $0xFFFFFFFF  }
0xba: {  	[dreg:$0x0] =	wrdreg $0x60  }
0xbb: {  	[dreg:$0x2] =	wrdreg s2  }
0xbc: {  	[dreg:$0x3] =	wrdreg s31  }
0xbd: {  	[dreg:$0x4] =	wrdreg s4  }
0xbe: {  	[dreg:$0x5] =	wrdreg s5  }
0xbf: {  	[dreg:$0x6] =	wrdreg s6  }
0xc0: {  	[dreg:$0x7] =	wrdreg s8  }
0xc1: {  	[dreg:$0x8] =	wrdreg s9  }
0xc2: {  	[dreg:$0x9] =	wrdreg s10  }
0xc3: {  	[dreg:$0xa] =	wrdreg s24  }
0xc4: {  	[dreg:$0xb] =	wrdreg s16  }
0xc5: {  	[dreg:$0xc] =	wrdreg $0x9  }
0xc6: {  	_ =	task.clear_ibuf [dreg:s15], $0xDFFFF;
	_ =	strace $0x90000046  }
0xc7: {  	s29 =	simm.s32 $0x9;
	_ =	strace $0x80000048  }
0xc8: {  	_ =	swait.ge [sflag:s29], $0x1  }
0xc9: {  	[sflag:s29] =	ssyncadd.s32 $0xFFFFFFFF  }
0xca: {  	_ =	strace $0x90000048  }
0xcb: {  	_ =	sfence  }
0xcc: {  	s30 =	sld [smem:$0x0];
	_ =	sdelay $0x2  }
0xcd: {  	s31 =	sshll.u32 s1, $0xD;
	s1 =	sshrl.u32 s1, $0x2  }
0xce: {  	s3 =	sand.u32 $0x4000, s31;
	s1 =	sadd.s32 s1, s30  }
0xcf: {  	s0 =	sor.u32 s3, s0;
	s1 =	sshll.u32 s1, $0x11  }
0xd0: {  	s0 =	sor.u32 s1, s0  }
0xd1: {  	s0 =	sadd.s32 $0x8F2B, s0  }
0xd2: {  	[sflag:s0] =	ssyncadd.remote.s32 $0x1  }
0xd3: {  	_ =	sfence.sel $0xFFFF  }
0xd4: {  	[dreg:$0x0] =	wrdreg $0xFFFFFFFF;
	(pc) =	sbr.abs _section_cstart, $3  }
0xd5: {  	[dreg:$0x1] =	wrdreg $0xFFFFFFFF  }
0xd6: {  	_ =	task.clear_ibuf [dreg:s15], $0x2FFFF;
	_ =	strace $0x9FFFFFFF  }
0xd7: {  	(tm) =	ssettm $0x7FFFFFFF  }
tec
execute0_lowered:
.L_overlay_start_1:
0x0: {  	(tag) =	ssettag $0x1  }
0x1: {  	s0 =	rddreg [dreg:$0x0]  }
0x2: {  	s1 =	rddreg [dreg:$0x1]  }
0x3: {  	s2 =	rddreg [dreg:$0x2]  }
0x4: {  	s3 =	rddreg [dreg:$0x8];
	s7 =	simm.s32 $0x0  }
0x5: {  	[smem:$0x7FF] =	sst s7  }
0x6: {  	s6 =	rddreg [dreg:$0x9];
	v0 =	vimm.s32 $0x7FFFFFFF;
	_ =	strace $0x80000047  }
0x7: {  	(xrf1) =	vsort.ascd.msk.u32 $0xffff, v0, v0;
	_ =	sdelay $0x6  }
0x8: {  	s4 =	srdreg.scid;
	s5 =	stileid.u32;
	s16 =	simm.s32 $0x1  }
0x9: {  	s17 =	simm.s32 $0x4080;
	s18 =	simm.s32 $0x8100;
	s24 =	simm.s32 $0x19180  }
0xa: {  	s25 =	simm.s32 $0x11180;
	s26 =	simm.s32 $0x15180;
	s4 =	sand.u32 $0x1, s4  }
.Ltmp0:
0xb: {  	vm0 =	vmmov $0x1;
	vm1 =	vcmask $0x324;
	vm2 =	vcmask $0x724;
	s5 =	sshll.u32 s5, $0xA;
	s8 =	sshll.u32 s4, $0x9;
	(pc) =	sbr.rel .LBB2_1-.Ltmp0, $4  }
0xc: {  	vm3 =	vcmask $0xB24;
	v1 =	vimm.s32 $0x300000F;
	s28 =	simm.s32 $0x0;
	s4 =	ssub.s32 $0x2, s4;
	s9 =	sor.u32 s8, s5;
	v0 =	vlaneseq.u32  }
0xd: {  	vm4 =	vcmask $0xF24;
	vm5 =	vcmask $0x1324;
	s10 =	sadd.s32 $0xA00, s3;
	s30 =	sshrl.u32 s4, $0x1;
	s8 =	sshrl.u32 s9, $0x3;
	v4 =	vmul.u32 $0xFFFFFFFF, v0  }
0xe: {  	vm6 =	vcmask $0x1724;
	vm7 =	vcmask $0x1B24;
	vm8 =	vcmask $0x1F24;
	s11 =	sadd.s32 $0x40A00, s3;
	s31 =	ssub.s32 s4, s30;
	s12 =	sadd.s32 s0, s8  }
0xf: {  	v3 =	vimm.s32 $0x0;
	v1 =	vunpack.c.0.s8.s32 v1;
	s13 =	sadd.s32 s1, s8;
	s14 =	sadd.s32 s2, s8;
	s15 =	smax.u32 s31, $0x1;
	v4 =	vadd.s32 $0xF, v4;
	v2, _, _ =	vpop (xrf1)  }
.LBB2_23:
0x10: {  	s28 =	sadd.s32 $0x1, s28  }
0x11: {  	p0 =	sne.s32 s28, s15  }
.Ltmp1:
0x12: {  	_ = 	snop;
	(pc) =	sbr.rel @!p0 .LBB2_24-.Ltmp1, $1  }
0x13: {  	_ =	sdelay $0x3  }
.LBB2_1:
0x14: {  	s0 =	rddreg [dreg:$0x3]  }
0x15: {  	[tilespmem:s7], [sflag:$0x1] =	stream.linear.gather [hbm4b:s0+s7], $0x4000, $0x38;
	[tilespmem:$0x19200] =	vst v63  }
0x16: {  	_ =	swait.ge [sflag:s16], $0x4000  }
0x17: {  	[sflag:s16] =	ssyncset.done $0x0  }
0x18: {  	[sflag:s16] =	ssyncadd.s32 $0xFFFFC000  }
0x19: {  	s8 =	rddreg [dreg:$0x4]  }
0x1a: {  	[tilespmem:s17], [sflag:$0x1] =	stream.linear.gather [hbm4b:s8+s7], $0x4000, $0x38;
	[tilespmem:$0x19200] =	vst v63  }
0x1b: {  	_ =	swait.ge [sflag:s16], $0x4000  }
0x1c: {  	[sflag:s16] =	ssyncset.done $0x0  }
0x1d: {  	[sflag:s16] =	ssyncadd.s32 $0xFFFFC000  }
0x1e: {  	s19 =	rddreg [dreg:$0x5]  }
0x1f: {  	[tilespmem:s18], [sflag:$0x1] =	stream.linear.gather [hbm4b:s19+s7], $0x4000, $0x38;
	[tilespmem:$0x19200] =	vst v63  }
0x20: {  	_ =	swait.ge [sflag:s16], $0x4000  }
0x21: {  	[sflag:s16] =	ssyncset.done $0x0  }
0x22: {  	[sflag:s16] =	ssyncadd.s32 $0xFFFFC000  }
0x23: {  	s1 =	simm.s32 $0xC180;
	s20 =	rddreg [dreg:$0x6]  }
0x24: {  	[tilespmem:s1], [sflag:$0x1] =	stream.linear.gather [hbm4b:s20+s7], $0x4000, $0x38;
	[tilespmem:$0x19200] =	vst v63  }
0x25: {  	_ =	swait.ge [sflag:s16], $0x4000  }
0x26: {  	[sflag:s16] =	ssyncset.done $0x0  }
0x27: {  	[sflag:s16] =	ssyncadd.s32 $0xFFFFC000  }
0x28: {  	s22 =	simm.s32 $0x10200;
	s21 =	rddreg [dreg:$0x7]  }
0x29: {  	[tilespmem:s22], [sflag:$0x1] =	stream.linear.gather [hbm4b:s21+s7], $0x700, $0x38;
	[tilespmem:$0x19200] =	vst v63  }
0x2a: {  	_ =	swait.ge [sflag:s16], $0x700  }
0x2b: {  	[sflag:s16] =	ssyncset.done $0x0  }
0x2c: {  	s23 =	simm.s32 $0x10900;
	[sflag:s16] =	ssyncadd.s32 $0xFFFFF900  }
0x2d: {  	[tilespmem:s23], [sflag:$0x1] =	stream.linear.gather [hbm4b:s12+s7], $0x200, $0x38;
	[tilespmem:$0x19200] =	vst v63  }
0x2e: {  	_ =	swait.ge [sflag:s16], $0x200  }
0x2f: {  	[sflag:s16] =	ssyncset.done $0x0  }
0x30: {  	s30 =	simm.s32 $0x10B80;
	[sflag:s16] =	ssyncadd.s32 $0xFFFFFE00  }
0x31: {  	[tilespmem:s30], [sflag:$0x1] =	stream.linear.gather [hbm4b:s13+s7], $0x200, $0x38;
	[tilespmem:$0x19200] =	vst v63  }
0x32: {  	_ =	swait.ge [sflag:s16], $0x200  }
0x33: {  	[sflag:s16] =	ssyncset.done $0x0  }
.Ltmp2:
0x34: {  	s31 =	simm.s32 $0x10E00;
	[sflag:s16] =	ssyncadd.s32 $0xFFFFFE00;
	(pc) =	sbr.rel .LBB2_2-.Ltmp2, $4  }
0x35: {  	[tilespmem:s31], [sflag:$0x1] =	stream.linear.gather [hbm4b:s14+s7], $0x200, $0x38;
	[tilespmem:$0x19200] =	vst v63  }
0x36: {  	_ =	swait.ge [sflag:s16], $0x200  }
0x37: {  	[sflag:s16] =	ssyncset.done $0x0  }
0x38: {  	s29 =	simm.s32 $0x0;
	[sflag:s16] =	ssyncadd.s32 $0xFFFFFE00  }
.LBB2_22:
0x39: {  	s0 =	sadd.s32 s9, s30  }
0x3a: {  	s1 =	sshll.u32 s0, $0x4  }
0x3b: {  	s2 =	sadd.s32 s10, s1  }
0x3c: {  	[hbm4b:s2+s7] =	stream.linear.scatter [tilespmem:s25], [sflag:$0x1], $0x4000, $0x38;
	[tilespmem:$0x19200] =	vst v63  }
0x3d: {  	_ =	swait.ge [sflag:s16], $0x4000  }
0x3e: {  	[sflag:s16] =	ssyncset.done $0x0  }
0x3f: {  	s1 =	sadd.s32 s11, s1;
	[sflag:s16] =	ssyncadd.s32 $0xFFFFC000  }
0x40: {  	[hbm4b:s1+s7] =	stream.linear.scatter [tilespmem:s26], [sflag:$0x1], $0x4000, $0x38;
	[tilespmem:$0x19200] =	vst v63  }
0x41: {  	s29 =	sadd.s32 $0x1, s29;
	_ =	swait.ge [sflag:s16], $0x4000  }
0x42: {  	s0 =	sshrl.u32 s0, $0x3;
	p0 =	sne.s32 s29, $0x4;
	[sflag:s16] =	ssyncset.done $0x0  }
.Ltmp3:
0x43: {  	s0 =	sadd.s32 s6, s0;
	[sflag:s16] =	ssyncadd.s32 $0xFFFFC000;
	(pc) =	sbr.rel @!p0 .LBB2_23-.Ltmp3, $4  }
0x44: {  	[hbm4b:s0+s7] =	stream.linear.scatter [tilespmem:s24], [sflag:$0x1], $0x80, $0x38;
	[tilespmem:$0x19200] =	vst v63  }
0x45: {  	_ =	swait.ge [sflag:s16], $0x80  }
0x46: {  	[sflag:s16] =	ssyncset.done $0x0  }
0x47: {  	[sflag:s16] =	ssyncadd.s32 $0xFFFFFF80  }
.LBB2_2:
.Ltmp4:
0x48: {  	(pc) =	sbr.rel .LBB2_3-.Ltmp4, $3  }
0x49: {  	_ =	sdelay $0x1  }
0x4a: {  	s30 =	sshll.u32 s29, $0x7  }
0x4b: {  	s31 =	simm.s32 $0x0;
	v5 =	vmov s30  }
.LBB2_20:
0x4c: {  	v6 =	vld [tilespmem:$0x110B0];
	_ =	sdelay $0x1  }
0x4d: {  	s0 =	sadd.s32 $0xFFFFFFD0, s1  }
0x4e: {  	v8 =	vmov s0  }
0x4f: {  	vm9 =	vgt.s32 v8, v0  }
0x50: {  	v6 =	vnsel vm9, $0x7FFFFFFF, v6  }
0x51: {  	(xrf1) =	vsort.ascd.msk.u32 $0xffff, v6, v6;
	_ =	sdelay $0xd  }
0x52: {  	v6, _, _ =	vpop (xrf1)  }
0x53: {  	v6 =	vperm.xlane v6, v4  }
0x54: {  	p0 =	slt.u32 s1, $0x41  }
0x55: {  	v8 =	vld @!p0 [tilespmem:$0x110C0];
	vm9 =	vlt.s32 v9, v6  }
0x56: {  	v6 =	vsel vm9, v9, v6  }
0x57: {  	s0 =	sadd.s32 @!p0 $0xFFFFFFC0, s1;
	vm9 =	vgt.s32 v7, v6  }
0x58: {  	v11 =	vlaneseq.u32 @!p0;
	v10 =	vmov @!p0 s0;
	v9 =	vsel vm9, v6, v7  }
0x59: {  	v6 =	vsel vm9, v7, v6;
	vm9 =	vgt.s32 @!p0 v10, v11;
	(xrf1) =	vsort.ascd.msk.u32 $0xffff, v9, v9  }
0x5a: {  	(xrf1) =	vsort.ascd.msk.u32 $0xffff, v6, v6;
	v6 =	vnsel @!p0 vm9, $0x7FFFFFFF, v8  }
0x5b: {  	(xrf1) =	vsort.ascd.msk.u32 @!p0 $0xffff, v6, v6;
	_ =	sdelay $0xb  }
0x5c: {  	v7 =	vmul.u32 @!p0 $0xFFFFFFFF, v11;
	v6, _, _ =	vpop (xrf1)  }
0x5d: {  	v8, _, _ =	vpop (xrf1)  }
0x5e: {  	v7 =	vadd.s32 @!p0 $0xF, v7;
	v9, _, _ =	vpop @!p0 (xrf1)  }
0x5f: {  	p1 =	slt.u32 @!p0 s1, $0x51;
	v7 =	vperm.xlane @!p0 v9, v7  }
0x60: {  	p2 =	por p1, p0  }
0x61: {  	v9 =	vld @!p2 [tilespmem:$0x110D0];
	vm9 =	vlt.s32 @!p0 v8, v7  }
0x62: {  	v7 =	vsel @!p0 vm9, v8, v7  }
0x63: {  	s0 =	sadd.s32 @!p2 $0xFFFFFFB0, s1;
	vm9 =	vgt.s32 @!p0 v6, v7  }
0x64: {  	v12 =	vlaneseq.u32 @!p2;
	v11 =	vmov @!p2 s0;
	v10 =	vsel @!p0 vm9, v7, v6  }
0x65: {  	v7 =	vsel @!p0 vm9, v6, v7;
	vm9 =	vgt.s32 @!p2 v11, v12;
	(xrf1) =	vsort.ascd.msk.u32 @!p0 $0xffff, v10, v10  }
0x66: {  	(xrf1) =	vsort.ascd.msk.u32 @!p0 $0xffff, v7, v7;
	v7 =	vnsel @!p2 vm9, $0x7FFFFFFF, v9  }
0x67: {  	(xrf1) =	vsort.ascd.msk.u32 @!p2 $0xffff, v7, v7;
	_ =	sdelay $0xb  }
0x68: {  	v9 =	vmul.u32 @!p2 $0xFFFFFFFF, v12;
	v7, _, _ =	vpop @!p0 (xrf1)  }
0x69: {  	v10, _, _ =	vpop @!p0 (xrf1)  }
0x6a: {  	v9 =	vadd.s32 @!p2 $0xF, v9;
	v11, _, _ =	vpop @!p2 (xrf1)  }
0x6b: {  	v9 =	vperm.xlane @!p2 v11, v9;
	_ =	sdelay $0x1  }
0x6c: {  	vm9 =	vlt.s32 @!p2 v10, v9  }
0x6d: {  	v9 =	vsel @!p2 vm9, v10, v9  }
0x6e: {  	vm9 =	vgt.s32 @!p2 v7, v9  }
0x6f: {  	v11 =	vsel @!p2 vm9, v9, v7  }
0x70: {  	v9 =	vsel @!p2 vm9, v7, v9;
	(xrf1) =	vsort.ascd.msk.u32 @!p2 $0xffff, v11, v11  }
0x71: {  	(xrf1) =	vsort.ascd.msk.u32 @!p2 $0xffff, v9, v9;
	_ =	sdelay $0xc  }
0x72: {  	v9, _, _ =	vpop @!p2 (xrf1)  }
0x73: {  	p1 =	por !p1, p0;
	v11, _, _ =	vpop @!p2 (xrf1)  }
0x74: {  	v7 =	vpsel p1, v9, v7;
	v63 =	vpsel p1, v11, v10  }
0x75: {  	v7 =	vpsel p0, v6, v7;
	v6 =	vpsel p0, v8, v63  }
.LBB2_21:
0x76: {  	vm10 =	veq.s32 v7, $0x7FFFFFFF;
	v8 =	vand.u32 $0x3FFF, v7  }
0x77: {  	v8 =	vsel vm10, $0x0, v8  }
0x78: {  	v7 =	vshra.s32 v7, $0xE  }
0x79: {  	vm9 =	veq.s32 v6, $0x7FFFFFFF;
	v9 =	vshra.s32 v6, $0xE;
	s0 =	sshll.u32 s31, $0x7;
	v7 =	vsel vm10, $0x0, v7  }
0x7a: {  	v9 =	vsel vm9, $0x0, v9;
	[tilespmem:s0+$0x11180] =	vst v7  }
0x7b: {  	[tilespmem:s0+$0x11190] =	vst v9  }
0x7c: {  	v60 =	vmul.u32 $0x3, v0;
	v7 =	vld.idx.msk [tilespmem:v8+s7+$0x0], $0xffff  }
0x7d: {  	v10 =	vld.idx.msk [tilespmem:v8+s17+$0x0], $0xffff  }
0x7e: {  	v11 =	vadd.s32 $0x1, v60;
	v8 =	vld.idx.msk [tilespmem:v8+s18+$0x0], $0xffff  }
0x7f: {  	v6 =	vand.u32 $0x3FFF, v6;
	v12 =	vadd.s32 $0x2, v60  }
0x80: {  	v6 =	vsel vm9, $0x0, v6  }
0x81: {  	v7 =	vsel vm10, $0x0, v7  }
0x82: {  	[tilespmem:v60+s0+$0x15180] =	vst.idx.msk $0xffff, v7;
	v7 =	vsel vm10, $0x0, v10  }
0x83: {  	v8 =	vsel vm10, $0x0, v8;
	[tilespmem:v11+s0+$0x15180] =	vst.idx.msk $0xffff, v7  }
0x84: {  	[tilespmem:v12+s0+$0x15180] =	vst.idx.msk $0xffff, v8  }
0x85: {  	v7 =	vld.idx.msk [tilespmem:v6+s7+$0x0], $0xffff  }
0x86: {  	v61 =	vadd.s32 $0x30, v60;
	v8 =	vld.idx.msk [tilespmem:v6+s17+$0x0], $0xffff  }
0x87: {  	v62 =	vadd.s32 $0x31, v60;
	v6 =	vld.idx.msk [tilespmem:v6+s18+$0x0], $0xffff  }
0x88: {  	v63 =	vmov s31;
	p0 =	slt.s32 s1, $0x20;
	s31 =	sadd.s32 $0x1, s31;
	v9 =	vadd.s32 $0x32, v60  }
0x89: {  	s1 =	simm.s32 @!p0 $0x20;
	p0 =	sne.s32 s31, $0x80  }
.Ltmp5:
0x8a: {  	v7 =	vsel vm9, $0x0, v7;
	(pc) =	sbr.rel @!p0 .LBB2_22-.Ltmp5, $4  }
0x8b: {  	[tilespmem:v61+s0+$0x15180] =	vst.idx.msk $0xffff, v7;
	v7 =	vsel vm9, $0x0, v8  }
0x8c: {  	v6 =	vsel vm9, $0x0, v6;
	[tilespmem:v62+s0+$0x15180] =	vst.idx.msk $0xffff, v7  }
0x8d: {  	[tilespmem:v9+s0+$0x15180] =	vst.idx.msk $0xffff, v6;
	v6 =	vmov s1  }
0x8e: {  	[tilespmem:v63+s24+$0x0] =	vst.idx.msk $0x1, v6  }
.LBB2_3:
0x8f: {  	_ =	sdelay $0x3  }
0x90: {  	v6 =	vld.idx.msk [tilespmem:v5+s31+$0x10900 ss:$0x1], $0xffff  }
0x91: {  	v7 =	vld.idx.msk [tilespmem:v5+s31+$0x10B80 ss:$0x1], $0xffff  }
0x92: {  	v8 =	vld.idx.msk [tilespmem:v5+s31+$0x10E00 ss:$0x1], $0xffff;
	_ =	sdelay $0x2  }
0x93: {  	(v2sf) =	vpush v6, $0x0  }
0x94: {  	(v2sf) =	vpush v7, $0x0  }
0x95: {  	(v2sf) =	vpush v8, $0x0;
	_ =	sdelay $0xc  }
0x96: {  	s0 =	spop (v2sf)  }
0x97: {  	s1 =	spop (v2sf)  }
0x98: {  	s2 =	spop (v2sf)  }
0x99: {  	s2 =	smul.f32 $1.000000000e+01, s2  }
0x9a: {  	s1 =	smul.f32 $1.000000000e+01, s1  }
0x9b: {  	s3 =	scvt.f32.s32 s2  }
0x9c: {  	s4 =	scvt.f32.s32 s1  }
0x9d: {  	s5 =	scvt.s32.f32 s3  }
0x9e: {  	s8 =	scvt.s32.f32 s4  }
0x9f: {  	s0 =	smul.f32 $1.000000000e+01, s0;
	p0 =	slt.f32 s2, s5  }
0xa0: {  	p1 =	slt.f32 s1, s8;
	s1 =	simm.s32 $0x1  }
0xa1: {  	s21 =	scvt.f32.s32 s0;
	s1 =	simm.s32 @!p0 $0x0  }
0xa2: {  	s5 =	simm.s32 $0x1;
	s1 =	ssub.s32 s3, s1  }
0xa3: {  	s22 =	scvt.s32.f32 s21;
	s5 =	simm.s32 @!p1 $0x0;
	p0 =	slt.s32 s1, $0x9  }
0xa4: {  	s4 =	ssub.s32 s4, s5;
	s1 =	simm.s32 @!p0 $0x9  }
0xa5: {  	p1 =	slt.s32 s4, $0x9;
	p0 =	slt.f32 s0, s22;
	s23 =	smul.u32 $0xC, s1  }
0xa6: {  	s4 =	simm.s32 @!p1 $0x9;
	s1 =	simm.s32 $0x1  }
0xa7: {  	s1 =	simm.s32 @!p0 $0x0;
	s0 =	sadd.s32 s4, s23  }
0xa8: {  	s1 =	ssub.s32 s21, s1;
	s0 =	smul.u32 $0x30, s0  }
0xa9: {  	p0 =	slt.s32 s1, $0x9  }
0xaa: {  	s1 =	simm.s32 @!p0 $0x9;
	s0 =	sshra.s32 s0, $0x2  }
0xab: {  	s0 =	sadd.s32 s1, s0  }
0xac: {  	v9 =	vld [tilespmem:s0+$0x10200]  }
0xad: {  	s0 =	sadd.s32 $0x10200, s0  }
0xae: {  	v10 =	vld [tilespmem:s0+$0x10]  }
0xaf: {  	v11 =	vld [tilespmem:s0+$0x90];
	_ =	sdelay $0x1  }
0xb0: {  	v15 =	vld [tilespmem:s0+$0xA0];
	v12 =	vbroadcast v9, $0x3  }
0xb1: {  	v17 =	vld [tilespmem:s0+$0x120];
	v13 =	vnsel vm0, $0x0, v9;
	v14 =	vbroadcast v9, $0xC;
	v9 =	vbroadcast v9, $0xF  }
0xb2: {  	v16 =	vbroadcast v10, $0x8;
	v10 =	vbroadcast v10, $0xB;
	v12 =	vnsel vm0, $0x0, v12  }
0xb3: {  	v57 =	vbroadcast v11, $0x0;
	v9 =	vsel vm1, v12, v9  }
0xb4: {  	v13 =	vsel vm1, v13, v14;
	v9 =	vsel vm2, v9, v10;
	v10 =	vbroadcast v11, $0xC  }
0xb5: {  	v58 =	vld [tilespmem:s0+$0x130];
	v13 =	vsel vm2, v13, v16;
	v11 =	vperm.xlane v11, v1;
	v9 =	vperm.xlane v9, v0  }
0xb6: {  	v59 =	vbroadcast v15, $0x8;
	v60 =	vbroadcast v17, $0x0;
	v12 =	vsel vm3, v13, v57  }
0xb7: {  	v10 =	vsel vm4, v12, v10;
	v9 =	vsel vm3, v9, v11;
	v11 =	vbroadcast v15, $0xB  }
0xb8: {  	v61 =	vbroadcast v17, $0x3;
	v62 =	vbroadcast v17, $0xC;
	v10 =	vsel vm5, v10, v59  }
.Ltmp6:
0xb9: {  	v10 =	vsel vm6, v10, v60;
	v9 =	vsel vm5, v9, v11;
	v11 =	vbroadcast v17, $0xF;
	(pc) =	sbr.rel .LBB2_4-.Ltmp6, $4  }
0xba: {  	v63 =	vbroadcast v58, $0xB;
	v10 =	vsel vm7, v10, v62;
	v9 =	vsel vm6, v9, v61  }
0xbb: {  	v10 =	vsel vm8, v10, v58;
	v9 =	vsel vm7, v9, v11  }
0xbc: {  	v6 =	vbroadcast v6, $0x0;
	[tilespmem:$0x11100] =	vst v10;
	v9 =	vsel vm8, v9, v63  }
0xbd: {  	v7 =	vbroadcast v7, $0x0;
	v8 =	vbroadcast v8, $0x0;
	s8 =	simm.s32 $0x0;
	s1 =	simm.s32 $0x0;
	[tilespmem:$0x11110] =	vst v9  }
.LBB2_12:
0xbe: {  	s3 =	smov.u32 s21;
	s2 =	smov.u32 s5;
	s19 =	smov.u32 s0  }
.LBB2_16:
0xbf: {  	s3 =	sadd.s32 @p0 $0x20, s3  }
0xc0: {  	v12 =	vld [tilespmem:s4+$0x0];
	s21 =	smov.u32 @p0 s3  }
0xc1: {  	v13 =	vld [tilespmem:s21+$0xFFFFFFF0]  }
0xc2: {  	v14 =	vld [tilespmem:s21+$0x0];
	_ =	sdelay $0x1  }
0xc3: {  	v11 =	vsub.f32 v11, v6;
	v10 =	vsub.f32 v10, v7  }
0xc4: {  	v9 =	vsub.f32 v9, v6;
	v12 =	vsub.f32 v12, v7  }
0xc5: {  	v11 =	vmul.f32 v11, v11;
	v10 =	vmul.f32 v10, v10;
	v13 =	vsub.f32 v13, v8  }
0xc6: {  	v9 =	vmul.f32 v9, v9;
	v14 =	vsub.f32 v14, v8;
	v12 =	vmul.f32 v12, v12  }
0xc7: {  	v10 =	vadd.f32 v10, v11;
	v11 =	vmul.f32 v13, v13  }
0xc8: {  	s3 =	sadd.s32 @p0 $0xFFFFFFE0, s19;
	v9 =	vadd.f32 v12, v9;
	v63 =	vmul.f32 v14, v14  }
0xc9: {  	s0 =	smov.u32 @p0 s3;
	v10 =	vadd.f32 v11, v10  }
0xca: {  	v11 =	vmov s0;
	s0 =	sadd.s32 $0xFFFFFFF0, s0;
	v9 =	vadd.f32 v63, v9  }
0xcb: {  	vm9 =	vgt.s32 v11, v0;
	vm10 =	vle.f32 v10, $9.999999770e-03;
	v10 =	vmov s0  }
0xcc: {  	vm11 =	vle.f32 v9, $9.999999770e-03;
	vm9 =	vmand vm9, vm10;
	vm10 =	vgt.s32 v10, v0  }
0xcd: {  	v9 =	vsel vm9, $0x1, v3;
	vm10 =	vmand vm10, vm11  }
0xce: {  	v10 =	vsel vm10, $0x1, v3;
	(xrf0) =	vadd.scan.msk.s32 $0xffff, v9  }
0xcf: {  	(xrf0) =	vadd.scan.msk.s32 $0xffff, v10;
	_ =	sdelay $0x4  }
0xd0: {  	v9, _, _ =	vpop (xrf0)  }
0xd1: {  	(v2sf) =	vpush v9, $0xF;
	v9, _, _ =	vpop (xrf0)  }
0xd2: {  	(v2sf) =	vpush v9, $0xF;
	_ =	sdelay $0x7  }
0xd3: {  	s0 =	sadd.s32 @p0 $0x20, s2  }
0xd4: {  	s5 =	smov.u32 @p0 s0  }
0xd5: {  	v9 =	vld [tilespmem:s5+$0xFFFFFFF0]  }
0xd6: {  	v10 =	vld [tilespmem:s5+$0x0];
	_ =	sdelay $0x2  }
0xd7: {  	s22 =	spop (v2sf)  }
0xd8: {  	[tilespmem:s1+$0x11080] =	vst.msk vm9, v9;
	s0 =	sadd.s32 s1, s22;
	s23 =	spop (v2sf)  }
0xd9: {  	[tilespmem:s0+$0x11080] =	vst.msk vm10, v10;
	s1 =	sadd.s32 s0, s23  }
.LBB2_17:
0xda: {  	s8 =	sadd.s32 $0x1, s8  }
0xdb: {  	p0 =	sne.s32 s8, $0x9  }
.Ltmp7:
0xdc: {  	_ = 	snop;
	(pc) =	sbr.rel @!p0 .LBB2_18-.Ltmp7, $1  }
0xdd: {  	_ =	sdelay $0x3  }
.LBB2_4:
0xde: {  	v9 =	vld [tilespmem:s8+$0x11100]  }
0xdf: {  	v10 =	vld [tilespmem:s8+$0x11110];
	_ =	sdelay $0x3  }
0xe0: {  	(v2sf) =	vpush v9, $0x0  }
0xe1: {  	(v2sf) =	vpush v10, $0x0;
	_ =	sdelay $0xd  }
0xe2: {  	s19 =	spop (v2sf)  }
0xe3: {  	s20 =	spop (v2sf)  }
0xe4: {  	s0 =	ssub.s32 s20, s19  }
0xe5: {  	s2 =	sadd.s32 s1, s0  }
0xe6: {  	p0 =	slt.s32 s2, $0x61  }
.Ltmp8:
0xe7: {  	_ = 	snop;
	(pc) =	sbr.rel @p0 .LBB2_10-.Ltmp8, $1  }
0xe8: {  	_ =	sdelay $0x3  }
0xe9: {  	s0 =	sadd.s32 $0xF, s0  }
0xea: {  	s0 =	sshra.s32 s0, $0x4  }
0xeb: {  	p0 =	slt.s32 s0, $0x1  }
.Ltmp9:
0xec: {  	_ = 	snop;
	(pc) =	sbr.rel @p0 .LBB2_17-.Ltmp9, $1  }
0xed: {  	_ =	sdelay $0x3  }
.Ltmp10:
0xee: {  	(pc) =	sbr.rel .LBB2_7-.Ltmp10, $4  }
0xef: {  	_ = 	snop  }
0xf0: {  	s2 =	sshll.u32 s19, $0x2  }
0xf1: {  	s19 =	ssub.s32 s20, s19;
	s2 =	sshra.s32 s2, $0x2  }
0xf2: {  	s3 =	sadd.s32 $0x4080, s2;
	s4 =	sadd.s32 $0x8100, s2;
	s5 =	sadd.s32 $0xC180, s2  }
.LBB2_9:
0xf3: {  	s0 =	sadd.s32 $0xFFFFFFFF, s0  }
0xf4: {  	p0 =	seq.s32 s0, $0x0  }
.Ltmp11:
0xf5: {  	_ = 	snop;
	(pc) =	sbr.rel @p0 .LBB2_17-.Ltmp11, $3  }
0xf6: {  	_ =	sdelay $0x1  }
0xf7: {  	[tilespmem:s1+$0x11080] =	vst.msk vm9, v9;
	s1 =	sadd.s32 s20, s1;
	s2 =	sadd.s32 $0x10, s2;
	s3 =	sadd.s32 $0x10, s3  }
0xf8: {  	s4 =	sadd.s32 $0x10, s4;
	s5 =	sadd.s32 $0x10, s5;
	s19 =	sadd.s32 $0xFFFFFFF0, s19  }
.LBB2_7:
0xf9: {  	v9 =	vld [tilespmem:s2+$0x0]  }
0xfa: {  	v10 =	vld [tilespmem:s3+$0x0];
	_ =	sdelay $0x1  }
0xfb: {  	v11 =	vld [tilespmem:s4+$0x0];
	_ =	sdelay $0x2  }
0xfc: {  	v9 =	vsub.f32 v9, v6;
	v10 =	vsub.f32 v10, v7;
	_ =	sdelay $0x1  }
0xfd: {  	v11 =	vsub.f32 v11, v8;
	v9 =	vmul.f32 v9, v9;
	v10 =	vmul.f32 v10, v10;
	_ =	sdelay $0x1  }
0xfe: {  	v9 =	vadd.f32 v10, v9;
	v10 =	vmul.f32 v11, v11;
	_ =	sdelay $0x1  }
0xff: {  	v9 =	vadd.f32 v10, v9  }
0x100: {  	v10 =	vmov s19  }
0x101: {  	vm9 =	vgt.s32 v10, v0;
	vm10 =	vle.f32 v9, $9.999999770e-03  }
0x102: {  	vm9 =	vmand vm9, vm10  }
0x103: {  	v9 =	vsel vm9, $0x1, v3  }
0x104: {  	(xrf0) =	vadd.scan.msk.s32 $0xffff, v9;
	_ =	sdelay $0x5  }
0x105: {  	v9, _, _ =	vpop (xrf0)  }
0x106: {  	(v2sf) =	vpush v9, $0xF;
	_ =	sdelay $0x9  }
0x107: {  	p0 =	slt.s32 s1, $0x51  }
.Ltmp12:
0x108: {  	_ = 	snop;
	(pc) =	sbr.rel @p0 .LBB2_9-.Ltmp12, $2  }
0x109: {  	_ =	sdelay $0x2  }
0x10a: {  	v9 =	vld [tilespmem:s5+$0x0];
	s20 =	spop (v2sf)  }
0x10b: {  	v10 =	vld [tilespmem:$0x11080];
	_ =	sdelay $0x2  }
0x10c: {  	v11 =	vmov s1  }
0x10d: {  	vm10 =	vgt.s32 v11, v0  }
0x10e: {  	v10 =	vnsel vm10, $0x7FFFFFFF, v10  }
0x10f: {  	(xrf1) =	vsort.ascd.msk.u32 $0xffff, v10, v10;
	_ =	sdelay $0xb  }
0x110: {  	v10 =	vld [tilespmem:$0x11090];
	_ =	sdelay $0x1  }
0x111: {  	s21 =	sadd.s32 $0xFFFFFFF0, s1;
	v11, _, _ =	vpop (xrf1)  }
0x112: {  	v12 =	vmov s21;
	v11 =	vperm.xlane v11, v4  }
0x113: {  	vm10 =	vgt.s32 v12, v0  }
0x114: {  	v10 =	vnsel vm10, $0x7FFFFFFF, v10;
	(xrf1) =	vsort.ascd.msk.u32 $0xffff, v11, v11  }
0x115: {  	(xrf1) =	vsort.ascd.msk.u32 $0xffff, v10, v10;
	_ =	sdelay $0xc  }
0x116: {  	v10, _, _ =	vpop (xrf1)  }
0x117: {  	v11, _, _ =	vpop (xrf1)  }
0x118: {  	v11 =	vperm.xlane v11, v4;
	_ =	sdelay $0x1  }
0x119: {  	v53 =	vld [tilespmem:$0x110A0];
	vm10 =	vlt.s32 v2, v11  }
0x11a: {  	v11 =	vsel vm10, v2, v11  }
0x11b: {  	s22 =	sadd.s32 $0xFFFFFFE0, s1;
	vm10 =	vgt.s32 v10, v11  }
0x11c: {  	v14 =	vmov s22;
	v13 =	vsel vm10, v11, v10  }
0x11d: {  	v10 =	vsel vm10, v10, v11;
	vm10 =	vgt.s32 v14, v0;
	(xrf1) =	vsort.ascd.msk.u32 $0xffff, v13, v13  }
0x11e: {  	(xrf1) =	vsort.ascd.msk.u32 $0xffff, v10, v10;
	v10 =	vnsel vm10, $0x7FFFFFFF, v53  }
0x11f: {  	(xrf1) =	vsort.ascd.msk.u32 $0xffff, v10, v10;
	_ =	sdelay $0xb  }
0x120: {  	v10, _, _ =	vpop (xrf1)  }
0x121: {  	v11, _, _ =	vpop (xrf1)  }
0x122: {  	v54, _, _ =	vpop (xrf1)  }
0x123: {  	v12 =	vperm.xlane v54, v4;
	_ =	sdelay $0x1  }
0x124: {  	v55 =	vld [tilespmem:$0x110B0];
	vm10 =	vlt.s32 v11, v12  }
0x125: {  	v11 =	vsel vm10, v11, v12  }
0x126: {  	s23 =	sadd.s32 $0xFFFFFFD0, s1;
	vm10 =	vgt.s32 v10, v11  }
0x127: {  	v56 =	vmov s23;
	v12 =	vsel vm10, v11, v10  }
0x128: {  	v10 =	vsel vm10, v10, v11;
	vm10 =	vgt.s32 v56, v0;
	(xrf1) =	vsort.ascd.msk.u32 $0xffff, v12, v12  }
0x129: {  	(xrf1) =	vsort.ascd.msk.u32 $0xffff, v10, v10;
	v10 =	vnsel vm10, $0x7FFFFFFF, v55  }
0x12a: {  	(xrf1) =	vsort.ascd.msk.u32 $0xffff, v10, v10;
	_ =	sdelay $0xb  }
0x12b: {  	v10, _, _ =	vpop (xrf1)  }
0x12c: {  	v11, _, _ =	vpop (xrf1)  }
0x12d: {  	v57, _, _ =	vpop (xrf1)  }
0x12e: {  	v12 =	vperm.xlane v57, v4;
	_ =	sdelay $0x1  }
0x12f: {  	v58 =	vld [tilespmem:$0x110C0];
	vm10 =	vlt.s32 v11, v12  }
0x130: {  	v11 =	vsel vm10, v11, v12  }
0x131: {  	s22 =	sadd.s32 $0xFFFFFFC0, s1;
	vm10 =	vgt.s32 v10, v11  }
0x132: {  	v59 =	vmov s22;
	v12 =	vsel vm10, v11, v10  }
0x133: {  	v10 =	vsel vm10, v10, v11;
	vm10 =	vgt.s32 v59, v0;
	(xrf1) =	vsort.ascd.msk.u32 $0xffff, v12, v12  }
0x134: {  	(xrf1) =	vsort.ascd.msk.u32 $0xffff, v10, v10;
	v10 =	vnsel vm10, $0x7FFFFFFF, v58  }
0x135: {  	(xrf1) =	vsort.ascd.msk.u32 $0xffff, v10, v10;
	_ =	sdelay $0xb  }
0x136: {  	v10, _, _ =	vpop (xrf1)  }
0x137: {  	v11, _, _ =	vpop (xrf1)  }
0x138: {  	v60, _, _ =	vpop (xrf1)  }
0x139: {  	v12 =	vperm.xlane v60, v4;
	_ =	sdelay $0x1  }
0x13a: {  	v61 =	vld [tilespmem:$0x110D0];
	vm10 =	vlt.s32 v11, v12  }
0x13b: {  	v11 =	vsel vm10, v11, v12  }
0x13c: {  	s23 =	sadd.s32 $0xFFFFFFB0, s1;
	vm10 =	vgt.s32 v10, v11  }
0x13d: {  	v62 =	vmov s23;
	v12 =	vsel vm10, v11, v10  }
0x13e: {  	v10 =	vsel vm10, v10, v11;
	vm10 =	vgt.s32 v62, v0;
	(xrf1) =	vsort.ascd.msk.u32 $0xffff, v12, v12  }
0x13f: {  	(xrf1) =	vsort.ascd.msk.u32 $0xffff, v10, v10;
	v10 =	vnsel vm10, $0x7FFFFFFF, v61  }
0x140: {  	(xrf1) =	vsort.ascd.msk.u32 $0xffff, v10, v10;
	_ =	sdelay $0xb  }
0x141: {  	v10, _, _ =	vpop (xrf1)  }
0x142: {  	v11, _, _ =	vpop (xrf1)  }
0x143: {  	v63, _, _ =	vpop (xrf1)  }
0x144: {  	v12 =	vperm.xlane v63, v4;
	_ =	sdelay $0x1  }
0x145: {  	vm10 =	vlt.s32 v11, v12  }
0x146: {  	v11 =	vsel vm10, v11, v12  }
0x147: {  	vm10 =	vgt.s32 v10, v11  }
0x148: {  	v12 =	vsel vm10, v11, v10  }
0x149: {  	v10 =	vsel vm10, v10, v11;
	(xrf1) =	vsort.ascd.msk.u32 $0xffff, v12, v12  }
0x14a: {  	(xrf1) =	vsort.ascd.msk.u32 $0xffff, v10, v10;
	_ =	sdelay $0xa  }
.Ltmp13:
0x14b: {  	_ = 	snop;
	(pc) =	sbr.rel .LBB2_9-.Ltmp13, $4  }
0x14c: {  	_ = 	snop  }
0x14d: {  	v10, _, _ =	vpop (xrf1)  }
0x14e: {  	v11, _, _ =	vpop (xrf1);
	[tilespmem:$0x11080] =	vst v10  }
0x14f: {  	s1 =	simm.s32 $0x20;
	[tilespmem:$0x11090] =	vst v11  }
.LBB2_10:
0x150: {  	s2 =	sadd.s32 $0x1F, s0  }
0x151: {  	s3 =	sshra.s32 s2, $0x5  }
0x152: {  	p0 =	slt.s32 s3, $0x1  }
.Ltmp14:
0x153: {  	_ = 	snop;
	(pc) =	sbr.rel @p0 .LBB2_17-.Ltmp14, $1  }
0x154: {  	_ =	sdelay $0x3  }
0x155: {  	s2 =	sshll.u32 s19, $0x2;
	p1 =	sne.s32 s3, $0x1  }
.Ltmp15:
0x156: {  	s5 =	sshra.s32 s2, $0x2;
	(pc) =	sbr.rel @!p1 .LBB2_12-.Ltmp15, $4  }
0x157: {  	s2 =	sadd.s32 $0x10, s5  }
0x158: {  	s4 =	sadd.s32 $0x4090, s5;
	v9 =	vld [tilespmem:s2+$0x0]  }
0x159: {  	s3 =	sadd.s32 $0xFFFFFFFF, s3;
	v10 =	vld [tilespmem:s4+$0xFFFFFFF0]  }
0x15a: {  	p0 =	por $0x0, $0x0;
	s21 =	sadd.s32 $0x8110, s5;
	s5 =	sadd.s32 $0xC190, s5;
	v11 =	vld [tilespmem:s2+$0xFFFFFFF0]  }
0x15b: {  	_ = 	snop  }
0x15c: {  	v12 =	vld [tilespmem:s21+$0xFFFFFFF0];
	_ =	sdelay $0x1  }
0x15d: {  	v13 =	vld [tilespmem:s4+$0x0]  }
0x15e: {  	v14 =	vld [tilespmem:s21+$0x0];
	v10 =	vsub.f32 v10, v7;
	v11 =	vsub.f32 v11, v6;
	_ =	sdelay $0x1  }
0x15f: {  	v12 =	vsub.f32 v12, v8;
	v10 =	vmul.f32 v10, v10;
	v11 =	vmul.f32 v11, v11  }
0x160: {  	v9 =	vsub.f32 v9, v6  }
0x161: {  	v13 =	vsub.f32 v13, v7;
	v10 =	vadd.f32 v10, v11;
	v11 =	vmul.f32 v12, v12  }
0x162: {  	v62 =	vsub.f32 v14, v8  }
0x163: {  	v9 =	vmul.f32 v9, v9;
	v61 =	vmul.f32 v13, v13;
	v10 =	vadd.f32 v11, v10  }
0x164: {  	v63 =	vmul.f32 v62, v62;
	v11 =	vmov s0  }
0x165: {  	v9 =	vadd.f32 v61, v9;
	vm9 =	vgt.s32 v11, v0;
	vm10 =	vle.f32 v10, $9.999999770e-03  }
0x166: {  	vm9 =	vmand vm9, vm10  }
0x167: {  	s19 =	sadd.s32 $0xFFFFFFF0, s0;
	v9 =	vadd.f32 v63, v9;
	v10 =	vsel vm9, $0x1, v3  }
0x168: {  	v11 =	vmov s19;
	(xrf0) =	vadd.scan.msk.s32 $0xffff, v10  }
0x169: {  	vm10 =	vgt.s32 v11, v0;
	vm11 =	vle.f32 v9, $9.999999770e-03  }
0x16a: {  	vm10 =	vmand vm10, vm11  }
0x16b: {  	v9 =	vsel vm10, $0x1, v3  }
0x16c: {  	(xrf0) =	vadd.scan.msk.s32 $0xffff, v9;
	_ =	sdelay $0x1  }
0x16d: {  	v9, _, _ =	vpop (xrf0)  }
0x16e: {  	(v2sf) =	vpush v9, $0xF;
	_ =	sdelay $0x2  }
0x16f: {  	v9, _, _ =	vpop (xrf0)  }
0x170: {  	(v2sf) =	vpush v9, $0xF;
	_ =	sdelay $0x6  }
0x171: {  	v9 =	vld [tilespmem:s5+$0xFFFFFFF0]  }
0x172: {  	v10 =	vld [tilespmem:s5+$0x0];
	_ =	sdelay $0x2  }
0x173: {  	p1 =	sne.s32 s3, $0x1;
	s20 =	spop (v2sf)  }
.Ltmp16:
0x174: {  	[tilespmem:s1+$0x11080] =	vst.msk vm9, v9;
	s22 =	sadd.s32 s1, s20;
	(pc) =	sbr.rel @!p1 .LBB2_14-.Ltmp16, $4  }
0x175: {  	s20 =	sadd.s32 $0x20, s2;
	[tilespmem:s22+$0x11080] =	vst.msk vm10, v10  }
0x176: {  	s4 =	sadd.s32 $0x20, s4;
	p0 =	por $0x1, $0x1;
	v9 =	vld [tilespmem:s20+$0x0]  }
0x177: {  	s19 =	smov.u32 s0;
	s23 =	spop (v2sf);
	s2 =	smov.u32 s5;
	v10 =	vld [tilespmem:s4+$0xFFFFFFF0]  }
0x178: {  	s1 =	sadd.s32 s22, s23;
	s22 =	sadd.s32 $0xFFFFFFFF, s3;
	s3 =	smov.u32 s21;
	v11 =	vld [tilespmem:s20+$0xFFFFFFF0]  }
.LBB2_15:
0x179: {  	p1 =	sne.s32 s22, $0x1;
	v12 =	vld [tilespmem:s4+$0x0];
	s3 =	sadd.s32 $0x20, s3  }
0x17a: {  	v13 =	vld [tilespmem:s3+$0xFFFFFFF0]  }
0x17b: {  	v14 =	vld [tilespmem:s3+$0x0];
	_ =	sdelay $0x1  }
0x17c: {  	v11 =	vsub.f32 v11, v6;
	v10 =	vsub.f32 v10, v7  }
0x17d: {  	v9 =	vsub.f32 v9, v6;
	v12 =	vsub.f32 v12, v7  }
0x17e: {  	v11 =	vmul.f32 v11, v11;
	v10 =	vmul.f32 v10, v10;
	v13 =	vsub.f32 v13, v8  }
0x17f: {  	v9 =	vmul.f32 v9, v9;
	v14 =	vsub.f32 v14, v8;
	v12 =	vmul.f32 v12, v12  }
0x180: {  	s2 =	sadd.s32 $0x20, s2;
	v10 =	vadd.f32 v10, v11;
	v11 =	vmul.f32 v13, v13  }
0x181: {  	v13 =	vld [tilespmem:s2+$0xFFFFFFF0];
	v9 =	vadd.f32 v12, v9;
	v12 =	vmul.f32 v14, v14  }
0x182: {  	s19 =	sadd.s32 $0xFFFFFFE0, s19;
	v10 =	vadd.f32 v11, v10  }
0x183: {  	s23 =	sadd.s32 $0xFFFFFFF0, s19;
	v11 =	vmov s19;
	v9 =	vadd.f32 v12, v9  }
0x184: {  	vm9 =	vgt.s32 v11, v0;
	vm10 =	vle.f32 v10, $9.999999770e-03;
	v10 =	vmov s23  }
0x185: {  	vm10 =	vmand vm9, vm10;
	vm9 =	vgt.s32 v10, v0;
	vm11 =	vle.f32 v9, $9.999999770e-03  }
0x186: {  	v9 =	vsel vm10, $0x1, v3;
	v10 =	vld [tilespmem:s2+$0x0];
	vm9 =	vmand vm9, vm11;
	[tilespmem:s1+$0x11080] =	vst.msk vm10, v13  }
0x187: {  	v11 =	vsel vm9, $0x1, v3;
	(xrf0) =	vadd.scan.msk.s32 $0xffff, v9  }
0x188: {  	(xrf0) =	vadd.scan.msk.s32 $0xffff, v11;
	_ =	sdelay $0x4  }
0x189: {  	v9, _, _ =	vpop (xrf0)  }
0x18a: {  	(v2sf) =	vpush v9, $0xF;
	v9, _, _ =	vpop (xrf0)  }
0x18b: {  	(v2sf) =	vpush v9, $0xF;
	_ =	sdelay $0xd  }
0x18c: {  	s23 =	spop (v2sf)  }
.Ltmp17:
0x18d: {  	s1 =	sadd.s32 s1, s23;
	s23 =	spop (v2sf);
	(pc) =	sbr.rel @p1 .LBB2_15-.Ltmp17, $4  }
0x18e: {  	s20 =	sadd.s32 $0x20, s20;
	[tilespmem:s1+$0x11080] =	vst.msk vm9, v10;
	s1 =	sadd.s32 s1, s23  }
0x18f: {  	s4 =	sadd.s32 $0x20, s4;
	v9 =	vld [tilespmem:s20+$0x0]  }
0x190: {  	v10 =	vld [tilespmem:s4+$0xFFFFFFF0]  }
0x191: {  	s22 =	sadd.s32 $0xFFFFFFFF, s22;
	v11 =	vld [tilespmem:s20+$0xFFFFFFF0]  }
.Ltmp18:
0x192: {  	_ = 	snop;
	(pc) =	sbr.rel .LBB2_16-.Ltmp18, $1  }
0x193: {  	_ =	sdelay $0x3  }
.LBB2_14:
.Ltmp19:
0x194: {  	(pc) =	sbr.rel .LBB2_16-.Ltmp19, $2  }
0x195: {  	_ =	sdelay $0x2  }
0x196: {  	s3 =	smov.u32 s21;
	s2 =	smov.u32 s5;
	s19 =	smov.u32 s0  }
.LBB2_18:
0x197: {  	p0 =	slt.s32 s1, $0x1  }
0x198: {  	v6 =	vld @!p0 [tilespmem:$0x11080];
	_ =	sdelay $0x2  }
0x199: {  	v7 =	vmov @!p0 s1;
	v8 =	vlaneseq.u32 @!p0  }
0x19a: {  	vm9 =	vgt.s32 @!p0 v7, v8  }
0x19b: {  	v6 =	vnsel @!p0 vm9, $0x7FFFFFFF, v6  }
0x19c: {  	(xrf1) =	vsort.ascd.msk.u32 @!p0 $0xffff, v6, v6;
	_ =	sdelay $0x9  }
0x19d: {  	p1 =	slt.u32 @!p0 s1, $0x11  }
0x19e: {  	p1 =	por p0, p1  }
0x19f: {  	v7 =	vld @!p1 [tilespmem:$0x11090];
	v6 =	vmul.u32 @!p0 $0xFFFFFFFF, v8;
	_ =	sdelay $0x1  }
0x1a0: {  	s0 =	sadd.s32 @!p1 $0xFFFFFFF0, s1;
	v6 =	vadd.s32 @!p0 $0xF, v6;
	v8, _, _ =	vpop @!p0 (xrf1)  }
0x1a1: {  	v9 =	vlaneseq.u32 @!p1;
	v6 =	vperm.xlane @!p0 v8, v6;
	v8 =	vmov @!p1 s0  }
0x1a2: {  	vm9 =	vgt.s32 @!p1 v8, v9  }
0x1a3: {  	(xrf1) =	vsort.ascd.msk.u32 @!p0 $0xffff, v6, v6;
	v6 =	vnsel @!p1 vm9, $0x7FFFFFFF, v7  }
0x1a4: {  	(xrf1) =	vsort.ascd.msk.u32 @!p1 $0xffff, v6, v6;
	_ =	sdelay $0xb  }
0x1a5: {  	v7 =	vmul.u32 @!p1 $0xFFFFFFFF, v9  }
0x1a6: {  	v6, _, _ =	vpop @!p0 (xrf1)  }
0x1a7: {  	v7 =	vadd.s32 @!p1 $0xF, v7;
	v8, _, _ =	vpop @!p1 (xrf1)  }
0x1a8: {  	p2 =	slt.u32 @!p1 s1, $0x21;
	v7 =	vperm.xlane @!p1 v8, v7  }
0x1a9: {  	p2 =	por p1, p2  }
0x1aa: {  	v8 =	vld @!p2 [tilespmem:$0x110A0];
	vm9 =	vlt.s32 @!p1 v2, v7  }
0x1ab: {  	v7 =	vsel @!p1 vm9, v2, v7  }
0x1ac: {  	s0 =	sadd.s32 @!p2 $0xFFFFFFE0, s1;
	vm9 =	vgt.s32 @!p1 v6, v7  }
0x1ad: {  	v11 =	vlaneseq.u32 @!p2;
	v10 =	vmov @!p2 s0;
	v9 =	vsel @!p1 vm9, v7, v6  }
0x1ae: {  	v7 =	vsel @!p1 vm9, v6, v7;
	vm9 =	vgt.s32 @!p2 v10, v11;
	(xrf1) =	vsort.ascd.msk.u32 @!p1 $0xffff, v9, v9  }
0x1af: {  	(xrf1) =	vsort.ascd.msk.u32 @!p1 $0xffff, v7, v7;
	v7 =	vnsel @!p2 vm9, $0x7FFFFFFF, v8  }
0x1b0: {  	(xrf1) =	vsort.ascd.msk.u32 @!p2 $0xffff, v7, v7;
	_ =	sdelay $0xb  }
0x1b1: {  	v7 =	vmul.u32 @!p2 $0xFFFFFFFF, v11;
	v8, _, _ =	vpop @!p1 (xrf1)  }
0x1b2: {  	v10, _, _ =	vpop @!p1 (xrf1)  }
0x1b3: {  	v7 =	vadd.s32 @!p2 $0xF, v7;
	v9, _, _ =	vpop @!p2 (xrf1)  }
0x1b4: {  	v7 =	vperm.xlane @!p2 v9, v7;
	_ =	sdelay $0x1  }
0x1b5: {  	vm9 =	vlt.s32 @!p2 v10, v7  }
0x1b6: {  	v7 =	vsel @!p2 vm9, v10, v7  }
0x1b7: {  	vm9 =	vgt.s32 @!p2 v8, v7  }
0x1b8: {  	v9 =	vsel @!p2 vm9, v7, v8  }
0x1b9: {  	v7 =	vsel @!p2 vm9, v8, v7;
	(xrf1) =	vsort.ascd.msk.u32 @!p2 $0xffff, v9, v9  }
0x1ba: {  	(xrf1) =	vsort.ascd.msk.u32 @!p2 $0xffff, v7, v7;
	_ =	sdelay $0x7  }
0x1bb: {  	p3 =	slt.u32 @!p2 s1, $0x31  }
0x1bc: {  	p3 =	por p2, p3  }
.Ltmp20:
0x1bd: {  	_ = 	snop;
	(pc) =	sbr.rel @!p3 .LBB2_20-.Ltmp20, $3  }
0x1be: {  	_ =	sdelay $0x1  }
0x1bf: {  	v7, _, _ =	vpop @!p2 (xrf1)  }
0x1c0: {  	v9, _, _ =	vpop @!p2 (xrf1)  }
.Ltmp21:
0x1c1: {  	(pc) =	sbr.rel .LBB2_21-.Ltmp21, $4  }
0x1c2: {  	_ = 	snop  }
0x1c3: {  	v6 =	vpsel p0, $0x7FFFFFFF, v6;
	v11 =	vpsel p0, $0x7FFFFFFF, v2  }
0x1c4: {  	v6 =	vpsel p1, v6, v8;
	v8 =	vpsel p1, v11, v10  }
0x1c5: {  	v7 =	vpsel p2, v6, v7;
	v6 =	vpsel p2, v8, v9  }
.LBB2_24:
0x1c6: {  	_ =	sfence.sel $0x180000  }
0x1c7: {  	[bflag:$0x0] =	sbarrier.arrive $0xFFFF  }
0x1c8: {  	_ =	strace $0x90000047  }
0x1c9: {  	s0 =	stileid.u32;
	[bflag:$0x2] =	sbarrier.arrive $0xFFFF  }
0x1ca: {  	p0 =	sne.s32 s0, $0x0;
	s0 =	rddreg [dreg:$0xa]  }
0x1cb: {  	s0 =	sadd.s32 @!p0 $0x100000, s0  }
0x1cc: {  	[sflag:s0] =	ssyncadd.tile.s32 @!p0 $0x1;
	_ =	shalt  }
.Lfunc_end2:
_tile_overlayer_lowered:
.L_overlay_start_2:
0x1cd: {  	(tag) =	ssettag $0x2  }
0x1ce: {  	s0 =	rddreg [dreg:$0x0];
	s2 =	stileid.u32  }
0x1cf: {  	s1 =	rddreg [dreg:$0x1];
	p0 =	sne.s32 s2, $0x0  }
0x1d0: {  	s3 =	rddreg [dreg:$0x2];
	[bflag:$0x3] =	sbarrier.arrive $0xFFFF;
	s2 =	simm.s32 @!p0 $0x1C01  }
0x1d1: {  	[timem:s3], [sflag:s2] =	dma.local @!p0 [hbm:s0], s1  }
0x1d2: {  	s0 =	simm.s32 @!p0 $0x1  }
0x1d3: {  	_ =	swait.ge @!p0 [sflag:s0], s1  }
0x1d4: {  	s1 =	ssub.s32 @!p0 $0x0, s1;
	[sflag:s0] =	ssyncset.done @!p0 $0x0  }
0x1d5: {  	[sflag:s0] =	ssyncadd.s32 @!p0 s1  }
0x1d6: {  	[bflag:$0x3] =	sbarrier.arrive $0xFFFF  }
0x1d7: {  	_ =	shalt  }

</sc_bundles>
